<compile_context>
chip_gen: v7x
topology: tpu7x:2x2x1
jax: 0.10.2.dev20260603
libtpu: 0.0.44.dev20260713+nightly
codegen_flags: <defaults>
</compile_context>

<pallas_src>
import dataclasses
import functools

import jax
import jax.numpy as jnp
from jax import lax
from jax.experimental import pallas as pl
from jax.experimental.pallas import tpu as pltpu
from jax.experimental.pallas import tpu_sc as plsc

B = 16
N = 20000
H = N // 2
L = 16
WIN = 128
CH = 5

_LIM = (63.0, 255.0, 255.0)
_SCALE = 0.1


def _scan_phase(c, s, cls_hbm, span_v, stage_v, stage_i, sh_v, sh_i):
    r = 2 * (s % 8) + c
    h = s // 8
    pltpu.sync_copy(cls_hbm.at[pl.ds(r * N + h * H, H)], span_v)

    lane = lax.iota(jnp.int32, L)
    nb = h * H

    def body(i, carry):
        out = []
        for k in range(CH):
            bv, bi = carry[2 * k], carry[2 * k + 1]
            v = span_v[pl.ds((i * CH + k) * L, L)]
            m = v > bv
            out.append(jnp.where(m, v, bv))
            out.append(jnp.where(m, lane + (nb + (i * CH + k) * L), bi))
        return tuple(out)

    init = []
    for k in range(CH):
        init.append(span_v[pl.ds(k * L, L)])
        init.append(lane + (nb + k * L))
    acc = lax.fori_loop(1, (H // L) // CH, body, tuple(init), unroll=1)

    bv, bi = acc[0], acc[1]
    for k in range(1, CH):
        bvk, bik = acc[2 * k], acc[2 * k + 1]
        m = (bvk > bv) | ((bvk == bv) & (bik < bi))
        bv = jnp.where(m, bvk, bv)
        bi = jnp.where(m, bik, bi)

    stage_v[...] = bv
    stage_i[...] = bi
    pltpu.sync_copy(stage_v, sh_v.at[pl.ds(s * L, L)])
    pltpu.sync_copy(stage_i, sh_i.at[pl.ds(s * L, L)])


def _merge_phase(c, s, scores_hbm, idx_hbm, sh_v, sh_i, loc_v, loc_i,
                 sco_v, idx_v):
    pltpu.sync_copy(sh_v, loc_v)
    pltpu.sync_copy(sh_i, loc_i)
    r = 2 * s + c
    bv = loc_v[pl.ds(s * L, L)]
    bi = loc_i[pl.ds(s * L, L)]
    pv = loc_v[pl.ds((s + 8) * L, L)]
    pi = loc_i[pl.ds((s + 8) * L, L)]
    m = (pv > bv) | ((pv == bv) & (pi < bi))
    bv = jnp.where(m, pv, bv)
    bi = jnp.where(m, pi, bi)

    smax = jnp.max(bv)
    cand = jnp.where(bv == smax, bi, jnp.int32(2**31 - 1))
    idx = jnp.min(cand)

    sco_v[...] = jnp.zeros((L,), jnp.float32) + smax
    idx_v[...] = jnp.zeros((L,), jnp.int32) + idx
    pltpu.sync_copy(sco_v, scores_hbm.at[pl.ds(r * L, L)])
    pltpu.sync_copy(idx_v, idx_hbm.at[pl.ds(r * L, L)])


def _sc_body(cls_hbm, scores_hbm, idx_hbm,
             span_v, stage_v, stage_i, sh_v, sh_i, loc_v, loc_i,
             sco_v, idx_v):
    c = lax.axis_index("c")
    s = lax.axis_index("s")
    _scan_phase(c, s, cls_hbm, span_v, stage_v, stage_i, sh_v, sh_i)
    plsc.subcore_barrier()

    @pl.when(s < 8)
    def _():
        _merge_phase(c, s, scores_hbm, idx_hbm, sh_v, sh_i, loc_v, loc_i,
                     sco_v, idx_v)


def _tc_body(idx_smem, sco_smem, reg_any, anc_any, sco_out, box_out,
             rg_s, an_s, sem_r, sem_a):
    cps = []
    for b in range(B):
        ib = idx_smem[b * L]
        w = (ib // WIN) * WIN
        cps.append(pltpu.make_async_copy(
            reg_any.at[:, pl.ds((b // 8) * 8, 8), pl.ds(w, WIN)],
            rg_s.at[:, b], sem_r))
        cps.append(pltpu.make_async_copy(
            anc_any.at[:, pl.ds((b // 8) * 8, 8), pl.ds(w, WIN)],
            an_s.at[:, b], sem_a))
    for cp in cps:
        cp.start()

    rows4 = lax.broadcasted_iota(jnp.int32, (1, B, 1, 1), 1)
    off = jnp.zeros((1, B, 1, 1), jnp.int32)
    lane1 = lax.broadcasted_iota(jnp.int32, (B,), 0)
    sco = jnp.zeros((B,), jnp.float32)
    for b in range(B):
        off = jnp.where(rows4 == b, idx_smem[b * L] % WIN, off)
        sco = jnp.where(lane1 == b, sco_smem[b * L], sco)
    sco_out[...] = sco

    for cp in cps:
        cp.wait()

    rowi = lax.broadcasted_iota(jnp.int32, (1, B, 8, WIN), 2)
    lanei = lax.broadcasted_iota(jnp.int32, (1, B, 8, WIN), 3)
    bmod = rows4 % 8
    mask = (rowi == bmod) & (lanei == off)
    rg = jnp.where(mask, rg_s[...], 0.0).sum(axis=3).sum(axis=2) * _SCALE
    an = jnp.where(mask, an_s[...], 0.0).sum(axis=3).sum(axis=2)

    a_lo = an[0:3, :]
    a_hi = an[3:6, :]
    dhw = a_hi - a_lo
    ctr = a_lo + 0.5 * dhw
    pdhw = jnp.exp(rg[3:6, :]) * dhw
    pctr = rg[0:3, :] * dhw + ctr
    mins = jnp.maximum(pctr - 0.5 * pdhw, 0.0)
    row3 = lax.broadcasted_iota(jnp.int32, (3, B), 0)
    lim = jnp.where(row3 == 0, _LIM[0], _LIM[1])
    maxs = jnp.minimum(pctr + 0.5 * pdhw, lim)
    box_out[0:3, :] = mins
    box_out[3:6, :] = maxs


@jax.jit
def _run(cls_flat, reg_t, anc_t):
    mesh = plsc.VectorSubcoreMesh(
        core_axis_name="c", subcore_axis_name="s", num_cores=2, num_subcores=16
    )
    cp = pltpu.CompilerParams()
    if "needs_layout_passes" in pltpu.CompilerParams.__dataclass_fields__:
        cp = dataclasses.replace(cp, needs_layout_passes=False)
    sc_argmax = functools.partial(
        pl.kernel,
        compiler_params=cp,
        out_type=(
            jax.ShapeDtypeStruct((B * L,), jnp.float32),
            jax.ShapeDtypeStruct((B * L,), jnp.int32),
        ),
        mesh=mesh,
        scratch_types=[
            pltpu.VMEM((H,), jnp.float32),
            pltpu.VMEM((L,), jnp.float32),
            pltpu.VMEM((L,), jnp.int32),
            pltpu.VMEM_SHARED((16 * L,), jnp.float32),
            pltpu.VMEM_SHARED((16 * L,), jnp.int32),
            pltpu.VMEM((16 * L,), jnp.float32),
            pltpu.VMEM((16 * L,), jnp.int32),
            pltpu.VMEM((L,), jnp.float32),
            pltpu.VMEM((L,), jnp.int32),
        ],
    )(_sc_body)
    scores_full, idx_full = sc_argmax(cls_flat)

    scores, boxes_t = pl.pallas_call(
        _tc_body,
        out_shape=(
            jax.ShapeDtypeStruct((B,), jnp.float32),
            jax.ShapeDtypeStruct((6, B), jnp.float32),
        ),
        in_specs=[
            pl.BlockSpec(memory_space=pltpu.SMEM),
            pl.BlockSpec(memory_space=pltpu.SMEM),
            pl.BlockSpec(memory_space=pl.ANY),
            pl.BlockSpec(memory_space=pl.ANY),
        ],
        out_specs=(
            pl.BlockSpec(memory_space=pltpu.VMEM),
            pl.BlockSpec(memory_space=pltpu.VMEM),
        ),
        scratch_shapes=[
            pltpu.VMEM((6, B, 8, WIN), jnp.float32),
            pltpu.VMEM((6, B, 8, WIN), jnp.float32),
            pltpu.SemaphoreType.DMA,
            pltpu.SemaphoreType.DMA,
        ],
    )(idx_full, scores_full, reg_t, anc_t)

    return scores, jnp.transpose(boxes_t)


def kernel(cls_heads, reg_heads, batch_anchors):
    reg_t = jnp.transpose(reg_heads, (2, 0, 1))
    anc_t = jnp.transpose(batch_anchors, (2, 0, 1))
    return _run(cls_heads.reshape(B * N), reg_t, anc_t)

# --- scband reference (transcript-rebuilt; emitter-appended) ---
"""Pipeline reference for scband-decoder-49632642073304 (READ-ONLY COPY).

The authoritative reference and input builder live on the scoring server;
editing this copy changes nothing except your own understanding.
"""

import jax, jax.numpy as jnp
import numpy as np

IMG_SIZE = (64, 256, 256)
BOX_SCALE_FACTOR = (0.1, 0.1, 0.1, 0.1, 0.1, 0.1)

def setup_inputs(seed: int = 0) -> dict:
    key = jax.random.key(seed)
    k1, k2, k3 = jax.random.split(key, 3)
    cls_heads = jax.random.normal(k1, (16, 20000), dtype=jnp.float32)
    reg_heads = jax.random.normal(k2, (16, 20000, 6), dtype=jnp.float32)
    batch_anchors = jax.random.uniform(k3, (16, 20000, 6), dtype=jnp.float32)
    return {"cls_heads": cls_heads, "reg_heads": reg_heads, "batch_anchors": batch_anchors}

def _decode(reg_heads, anchors):
    anchors_dhw = anchors[:, 3:] - anchors[:, :3]
    anchors_ctr = anchors[:, :3] + 0.5 * anchors_dhw
    factor = jnp.array([BOX_SCALE_FACTOR], dtype=reg_heads.dtype)
    reg_heads = reg_heads * factor
    pred_dhw = jnp.exp(reg_heads[:, 3:]) * anchors_dhw
    pred_ctr = reg_heads[:, :3] * anchors_dhw + anchors_ctr
    mins = pred_ctr - 0.5 * pred_dhw
    maxs = pred_ctr + 0.5 * pred_dhw
    mins = jnp.maximum(mins, 0.0)
    limits = jnp.array([IMG_SIZE[0] - 1, IMG_SIZE[1] - 1, IMG_SIZE[2] - 1], dtype=reg_heads.dtype)
    maxs = jnp.minimum(maxs, limits)
    return jnp.concatenate([mins, maxs], axis=1)

def reference(cls_heads, reg_heads, batch_anchors):
    batchsize = cls_heads.shape[0]
    max_scores = jnp.max(cls_heads, axis=1)
    max_indices = jnp.argmax(cls_heads, axis=1)
    ar = jnp.arange(batchsize)
    max_reg_heads = reg_heads[ar, max_indices]
    max_batch_anchors = batch_anchors[ar, max_indices]
    image_pred_bboxes = _decode(max_reg_heads, max_batch_anchors)
    return (max_scores, image_pred_bboxes)

if __name__ == "__main__":
    import jax
    _d = setup_inputs()
    print(jax.jit(kernel)(*tuple(_d.values())))

</pallas_src>

<mosaic_0001>
#map = affine_map<(d0, d1) -> (0)>
module attributes {stable_mosaic.version = 14 : i64} {
  func.func @_sc_body(%arg0: i32, %arg1: i32, %arg2: memref<320000xf32, #tpu.memory_space<hbm>>, %arg3: memref<256xf32, #tpu.memory_space<hbm>>, %arg4: memref<256xi32, #tpu.memory_space<hbm>>, %arg5: memref<10000xf32, #tpu.memory_space<vmem>>, %arg6: memref<16xf32, #tpu.memory_space<vmem>>, %arg7: memref<16xi32, #tpu.memory_space<vmem>>, %arg8: memref<256xf32, #tpu.memory_space<vmem_shared>>, %arg9: memref<256xi32, #tpu.memory_space<vmem_shared>>, %arg10: memref<256xf32, #tpu.memory_space<vmem>>, %arg11: memref<256xi32, #tpu.memory_space<vmem>>, %arg12: memref<16xf32, #tpu.memory_space<vmem>>, %arg13: memref<16xi32, #tpu.memory_space<vmem>>) attributes {dimension_semantics = [#tpu.dimension_semantics<core_parallel>, #tpu.dimension_semantics<subcore_parallel>], iteration_bounds = array<i64: 2, 16>, scalar_prefetch = 0 : i64, scratch_operands = 9 : i64, tpu.core_type = #tpu.core_type<sc_vector_subcore>, window_params = [{transform_indices = #map}, {transform_indices = #map}, {transform_indices = #map}]} {
    %jit3A = arith.constant 8 : i32
    %eq3A = arith.constant 0 : i32
    %eq3A_0 = arith.cmpi eq, %jit3A, %eq3A : i32
    %jit3A_1 = arith.constant 1 : i32
    %select_n3A = arith.select %eq3A_0, %jit3A_1, %jit3A : i32
    %rem3A = arith.remsi %arg1, %select_n3A : i32
    %ne3A = arith.constant 0 : i32
    %ne3A_2 = arith.cmpi ne, %rem3A, %ne3A : i32
    %lt3A = arith.constant 0 : i32
    %lt3A_3 = arith.cmpi slt, %rem3A, %lt3A : i32
    %lt3A_4 = arith.constant 0 : i32
    %lt3A_5 = arith.cmpi slt, %select_n3A, %lt3A_4 : i32
    %ne3A_6 = arith.xori %lt3A_3, %lt3A_5 : i1
    %and3A = arith.andi %ne3A_6, %ne3A_2 : i1
    %add3A = arith.addi %rem3A, %select_n3A : i32
    %select_n3A_7 = arith.select %and3A, %add3A, %rem3A : i32
    %mul3A = arith.constant 2 : i32
    %mul3A_8 = arith.muli %mul3A, %select_n3A_7 : i32
    %add3A_9 = arith.addi %mul3A_8, %arg0 : i32
    %jit3A_10 = arith.constant 8 : i32
    %div3A = arith.divsi %arg1, %jit3A_10 : i32
    %sign3A = arith.constant 0 : i32
    %sign3A_11 = arith.cmpi sgt, %arg1, %sign3A : i32
    %sign3A_12 = arith.extui %sign3A_11 : i1 to i32
    %sign3A_13 = arith.constant 0 : i32
    %sign3A_14 = arith.cmpi slt, %arg1, %sign3A_13 : i32
    %sign3A_15 = arith.extui %sign3A_14 : i1 to i32
    %sign3A_16 = arith.subi %sign3A_12, %sign3A_15 : i32
    %sign3A_17 = arith.constant 0 : i32
    %sign3A_18 = arith.cmpi sgt, %jit3A_10, %sign3A_17 : i32
    %sign3A_19 = arith.extui %sign3A_18 : i1 to i32
    %sign3A_20 = arith.constant 0 : i32
    %sign3A_21 = arith.cmpi slt, %jit3A_10, %sign3A_20 : i32
    %sign3A_22 = arith.extui %sign3A_21 : i1 to i32
    %sign3A_23 = arith.subi %sign3A_19, %sign3A_22 : i32
    %ne3A_24 = arith.cmpi ne, %sign3A_16, %sign3A_23 : i32
    %rem3A_25 = arith.remsi %arg1, %jit3A_10 : i32
    %ne3A_26 = arith.constant 0 : i32
    %ne3A_27 = arith.cmpi ne, %rem3A_25, %ne3A_26 : i32
    %and3A_28 = arith.andi %ne3A_24, %ne3A_27 : i1
    %sub3A = arith.constant 1 : i32
    %sub3A_29 = arith.subi %div3A, %sub3A : i32
    %select_n3A_30 = arith.select %and3A_28, %sub3A_29, %div3A : i32
    %mul3A_31 = arith.constant 20000 : i32
    %mul3A_32 = arith.muli %add3A_9, %mul3A_31 : i32
    %mul3A_33 = arith.constant 10000 : i32
    %mul3A_34 = arith.muli %select_n3A_30, %mul3A_33 : i32
    %add3A_35 = arith.addi %mul3A_32, %mul3A_34 : i32
    "tpu.region"() ({
      %run_scoped3A = tpu.sem_alloc : memref<!tpu.dma_semaphore, #tpu.memory_space<semaphore_mem>>
      %dma_start3A = tpu.memref_slice %arg2[%add3A_35] : memref<320000xf32, #tpu.memory_space<hbm>> -> memref<10000xf32, #tpu.memory_space<hbm>>
      %dma_start3A_108 = tpu.memref_slice %arg2[%add3A_35] : memref<320000xf32, #tpu.memory_space<hbm>> -> memref<10000xf32, #tpu.memory_space<hbm>>
      tpu.enqueue_dma source(%dma_start3A_108 : memref<10000xf32, #tpu.memory_space<hbm>>) target(%arg5 : memref<10000xf32, #tpu.memory_space<vmem>>) target_semaphore(%run_scoped3A : memref<!tpu.dma_semaphore, #tpu.memory_space<semaphore_mem>>)
      %dma_wait3A = tpu.memref_slice %arg2[%add3A_35] : memref<320000xf32, #tpu.memory_space<hbm>> -> memref<10000xf32, #tpu.memory_space<hbm>>
      %dma_wait3A_109 = tpu.memref_slice %arg2[%add3A_35] : memref<320000xf32, #tpu.memory_space<hbm>> -> memref<10000xf32, #tpu.memory_space<hbm>>
      tpu.wait_dma2 semaphore(%run_scoped3A : memref<!tpu.dma_semaphore, #tpu.memory_space<semaphore_mem>>) src(%dma_wait3A_109 : memref<10000xf32, #tpu.memory_space<hbm>>) dst(%arg5 : memref<10000xf32, #tpu.memory_space<vmem>>)
      tpu.yield
    }) : () -> ()
    %iota3A = tpu.iota {dimensions = array<i32: 0>} : vector<16xi32>
    %mul3A_36 = arith.constant 10000 : i32
    %mul3A_37 = arith.muli %select_n3A_30, %mul3A_36 : i32
    %get3A = arith.constant 0 : index
    %get3A_38 = tpu.vector_load %arg5[%get3A] {strides = array<i32>} : memref<10000xf32, #tpu.memory_space<vmem>>, vector<16xf32>,
    %add3A_39 = arith.constant 0 : i32
    %add3A_40 = arith.addi %mul3A_37, %add3A_39 : i32
    %add3A_41 = vector.broadcast %add3A_40 : i32 to vector<16xi32>
    %add3A_42 = arith.addi %iota3A, %add3A_41 : vector<16xi32>
    %get3A_43 = arith.constant 16 : index
    %get3A_44 = tpu.vector_load %arg5[%get3A_43] {strides = array<i32>} : memref<10000xf32, #tpu.memory_space<vmem>>, vector<16xf32>,
    %add3A_45 = arith.constant 16 : i32
    %add3A_46 = arith.addi %mul3A_37, %add3A_45 : i32
    %add3A_47 = vector.broadcast %add3A_46 : i32 to vector<16xi32>
    %add3A_48 = arith.addi %iota3A, %add3A_47 : vector<16xi32>
    %get3A_49 = arith.constant 32 : index
    %get3A_50 = tpu.vector_load %arg5[%get3A_49] {strides = array<i32>} : memref<10000xf32, #tpu.memory_space<vmem>>, vector<16xf32>,
    %add3A_51 = arith.constant 32 : i32
    %add3A_52 = arith.addi %mul3A_37, %add3A_51 : i32
    %add3A_53 = vector.broadcast %add3A_52 : i32 to vector<16xi32>
    %add3A_54 = arith.addi %iota3A, %add3A_53 : vector<16xi32>
    %get3A_55 = arith.constant 48 : index
    %get3A_56 = tpu.vector_load %arg5[%get3A_55] {strides = array<i32>} : memref<10000xf32, #tpu.memory_space<vmem>>, vector<16xf32>,
    %add3A_57 = arith.constant 48 : i32
    %add3A_58 = arith.addi %mul3A_37, %add3A_57 : i32
    %add3A_59 = vector.broadcast %add3A_58 : i32 to vector<16xi32>
    %add3A_60 = arith.addi %iota3A, %add3A_59 : vector<16xi32>
    %get3A_61 = arith.constant 64 : index
    %get3A_62 = tpu.vector_load %arg5[%get3A_61] {strides = array<i32>} : memref<10000xf32, #tpu.memory_space<vmem>>, vector<16xf32>,
    %add3A_63 = arith.constant 64 : i32
    %add3A_64 = arith.addi %mul3A_37, %add3A_63 : i32
    %add3A_65 = vector.broadcast %add3A_64 : i32 to vector<16xi32>
    %add3A_66 = arith.addi %iota3A, %add3A_65 : vector<16xi32>
    %scan3A = arith.constant 1 : i32
    %scan3A_67 = arith.constant 124 : i32
    %scan3A_68 = arith.addi %scan3A, %scan3A_67 : i32
    %scan3A_69 = arith.constant 1 : i32
    %scan3A_70:10 = scf.for %scan3A_108 = %scan3A to %scan3A_68 step %scan3A_69 iter_args(%scan3A_109 = %get3A_38, %scan3A_110 = %add3A_42, %scan3A_111 = %get3A_44, %scan3A_112 = %add3A_48, %scan3A_113 = %get3A_50, %scan3A_114 = %add3A_54, %scan3A_115 = %get3A_56, %scan3A_116 = %add3A_60, %scan3A_117 = %get3A_62, %scan3A_118 = %add3A_66) -> (vector<16xf32>, vector<16xi32>, vector<16xf32>, vector<16xi32>, vector<16xf32>, vector<16xi32>, vector<16xf32>, vector<16xi32>, vector<16xf32>, vector<16xi32>)  : i32 {
      %mul3A_119 = arith.constant 5 : i32
      %mul3A_120 = arith.muli %scan3A_108, %mul3A_119 : i32
      %add3A_121 = arith.constant 0 : i32
      %add3A_122 = arith.addi %mul3A_120, %add3A_121 : i32
      %mul3A_123 = arith.constant 16 : i32
      %mul3A_124 = arith.muli %add3A_122, %mul3A_123 : i32
      %get3A_125 = arith.index_cast %mul3A_124 : i32 to index
      %get3A_126 = tpu.vector_load %arg5[%get3A_125] {strides = array<i32>} : memref<10000xf32, #tpu.memory_space<vmem>>, vector<16xf32>,
      %gt3A_127 = arith.cmpf ogt, %get3A_126, %scan3A_109 : vector<16xf32>
      %select_n3A_128 = arith.select %gt3A_127, %get3A_126, %scan3A_109 : vector<16xi1>, vector<16xf32>
      %mul3A_129 = arith.constant 5 : i32
      %mul3A_130 = arith.muli %scan3A_108, %mul3A_129 : i32
      %add3A_131 = arith.constant 0 : i32
      %add3A_132 = arith.addi %mul3A_130, %add3A_131 : i32
      %mul3A_133 = arith.constant 16 : i32
      %mul3A_134 = arith.muli %add3A_132, %mul3A_133 : i32
      %add3A_135 = arith.addi %mul3A_37, %mul3A_134 : i32
      %add3A_136 = vector.broadcast %add3A_135 : i32 to vector<16xi32>
      %add3A_137 = arith.addi %iota3A, %add3A_136 : vector<16xi32>
      %select_n3A_138 = arith.select %gt3A_127, %add3A_137, %scan3A_110 : vector<16xi1>, vector<16xi32>
      %mul3A_139 = arith.constant 5 : i32
      %mul3A_140 = arith.muli %scan3A_108, %mul3A_139 : i32
      %add3A_141 = arith.constant 1 : i32
      %add3A_142 = arith.addi %mul3A_140, %add3A_141 : i32
      %mul3A_143 = arith.constant 16 : i32
      %mul3A_144 = arith.muli %add3A_142, %mul3A_143 : i32
      %get3A_145 = arith.index_cast %mul3A_144 : i32 to index
      %get3A_146 = tpu.vector_load %arg5[%get3A_145] {strides = array<i32>} : memref<10000xf32, #tpu.memory_space<vmem>>, vector<16xf32>,
      %gt3A_147 = arith.cmpf ogt, %get3A_146, %scan3A_111 : vector<16xf32>
      %select_n3A_148 = arith.select %gt3A_147, %get3A_146, %scan3A_111 : vector<16xi1>, vector<16xf32>
      %mul3A_149 = arith.constant 5 : i32
      %mul3A_150 = arith.muli %scan3A_108, %mul3A_149 : i32
      %add3A_151 = arith.constant 1 : i32
      %add3A_152 = arith.addi %mul3A_150, %add3A_151 : i32
      %mul3A_153 = arith.constant 16 : i32
      %mul3A_154 = arith.muli %add3A_152, %mul3A_153 : i32
      %add3A_155 = arith.addi %mul3A_37, %mul3A_154 : i32
      %add3A_156 = vector.broadcast %add3A_155 : i32 to vector<16xi32>
      %add3A_157 = arith.addi %iota3A, %add3A_156 : vector<16xi32>
      %select_n3A_158 = arith.select %gt3A_147, %add3A_157, %scan3A_112 : vector<16xi1>, vector<16xi32>
      %mul3A_159 = arith.constant 5 : i32
      %mul3A_160 = arith.muli %scan3A_108, %mul3A_159 : i32
      %add3A_161 = arith.constant 2 : i32
      %add3A_162 = arith.addi %mul3A_160, %add3A_161 : i32
      %mul3A_163 = arith.constant 16 : i32
      %mul3A_164 = arith.muli %add3A_162, %mul3A_163 : i32
      %get3A_165 = arith.index_cast %mul3A_164 : i32 to index
      %get3A_166 = tpu.vector_load %arg5[%get3A_165] {strides = array<i32>} : memref<10000xf32, #tpu.memory_space<vmem>>, vector<16xf32>,
      %gt3A_167 = arith.cmpf ogt, %get3A_166, %scan3A_113 : vector<16xf32>
      %select_n3A_168 = arith.select %gt3A_167, %get3A_166, %scan3A_113 : vector<16xi1>, vector<16xf32>
      %mul3A_169 = arith.constant 5 : i32
      %mul3A_170 = arith.muli %scan3A_108, %mul3A_169 : i32
      %add3A_171 = arith.constant 2 : i32
      %add3A_172 = arith.addi %mul3A_170, %add3A_171 : i32
      %mul3A_173 = arith.constant 16 : i32
      %mul3A_174 = arith.muli %add3A_172, %mul3A_173 : i32
      %add3A_175 = arith.addi %mul3A_37, %mul3A_174 : i32
      %add3A_176 = vector.broadcast %add3A_175 : i32 to vector<16xi32>
      %add3A_177 = arith.addi %iota3A, %add3A_176 : vector<16xi32>
      %select_n3A_178 = arith.select %gt3A_167, %add3A_177, %scan3A_114 : vector<16xi1>, vector<16xi32>
      %mul3A_179 = arith.constant 5 : i32
      %mul3A_180 = arith.muli %scan3A_108, %mul3A_179 : i32
      %add3A_181 = arith.constant 3 : i32
      %add3A_182 = arith.addi %mul3A_180, %add3A_181 : i32
      %mul3A_183 = arith.constant 16 : i32
      %mul3A_184 = arith.muli %add3A_182, %mul3A_183 : i32
      %get3A_185 = arith.index_cast %mul3A_184 : i32 to index
      %get3A_186 = tpu.vector_load %arg5[%get3A_185] {strides = array<i32>} : memref<10000xf32, #tpu.memory_space<vmem>>, vector<16xf32>,
      %gt3A_187 = arith.cmpf ogt, %get3A_186, %scan3A_115 : vector<16xf32>
      %select_n3A_188 = arith.select %gt3A_187, %get3A_186, %scan3A_115 : vector<16xi1>, vector<16xf32>
      %mul3A_189 = arith.constant 5 : i32
      %mul3A_190 = arith.muli %scan3A_108, %mul3A_189 : i32
      %add3A_191 = arith.constant 3 : i32
      %add3A_192 = arith.addi %mul3A_190, %add3A_191 : i32
      %mul3A_193 = arith.constant 16 : i32
      %mul3A_194 = arith.muli %add3A_192, %mul3A_193 : i32
      %add3A_195 = arith.addi %mul3A_37, %mul3A_194 : i32
      %add3A_196 = vector.broadcast %add3A_195 : i32 to vector<16xi32>
      %add3A_197 = arith.addi %iota3A, %add3A_196 : vector<16xi32>
      %select_n3A_198 = arith.select %gt3A_187, %add3A_197, %scan3A_116 : vector<16xi1>, vector<16xi32>
      %mul3A_199 = arith.constant 5 : i32
      %mul3A_200 = arith.muli %scan3A_108, %mul3A_199 : i32
      %add3A_201 = arith.constant 4 : i32
      %add3A_202 = arith.addi %mul3A_200, %add3A_201 : i32
      %mul3A_203 = arith.constant 16 : i32
      %mul3A_204 = arith.muli %add3A_202, %mul3A_203 : i32
      %get3A_205 = arith.index_cast %mul3A_204 : i32 to index
      %get3A_206 = tpu.vector_load %arg5[%get3A_205] {strides = array<i32>} : memref<10000xf32, #tpu.memory_space<vmem>>, vector<16xf32>,
      %gt3A_207 = arith.cmpf ogt, %get3A_206, %scan3A_117 : vector<16xf32>
      %select_n3A_208 = arith.select %gt3A_207, %get3A_206, %scan3A_117 : vector<16xi1>, vector<16xf32>
      %mul3A_209 = arith.constant 5 : i32
      %mul3A_210 = arith.muli %scan3A_108, %mul3A_209 : i32
      %add3A_211 = arith.constant 4 : i32
      %add3A_212 = arith.addi %mul3A_210, %add3A_211 : i32
      %mul3A_213 = arith.constant 16 : i32
      %mul3A_214 = arith.muli %add3A_212, %mul3A_213 : i32
      %add3A_215 = arith.addi %mul3A_37, %mul3A_214 : i32
      %add3A_216 = vector.broadcast %add3A_215 : i32 to vector<16xi32>
      %add3A_217 = arith.addi %iota3A, %add3A_216 : vector<16xi32>
      %select_n3A_218 = arith.select %gt3A_207, %add3A_217, %scan3A_118 : vector<16xi1>, vector<16xi32>
      scf.yield %select_n3A_128, %select_n3A_138, %select_n3A_148, %select_n3A_158, %select_n3A_168, %select_n3A_178, %select_n3A_188, %select_n3A_198, %select_n3A_208, %select_n3A_218 : vector<16xf32>, vector<16xi32>, vector<16xf32>, vector<16xi32>, vector<16xf32>, vector<16xi32>, vector<16xf32>, vector<16xi32>, vector<16xf32>, vector<16xi32>
    }
    %scan3A_71 = arith.constant 124 : i32
    %gt3A = arith.cmpf ogt, %scan3A_70#2, %scan3A_70#0 : vector<16xf32>
    %eq3A_72 = arith.cmpf oeq, %scan3A_70#2, %scan3A_70#0 : vector<16xf32>
    %lt3A_73 = arith.cmpi slt, %scan3A_70#3, %scan3A_70#1 : vector<16xi32>
    %and3A_74 = arith.andi %eq3A_72, %lt3A_73 : vector<16xi1>
    %or3A = arith.ori %gt3A, %and3A_74 : vector<16xi1>
    %select_n3A_75 = arith.select %or3A, %scan3A_70#2, %scan3A_70#0 : vector<16xi1>, vector<16xf32>
    %select_n3A_76 = arith.select %or3A, %scan3A_70#3, %scan3A_70#1 : vector<16xi1>, vector<16xi32>
    %gt3A_77 = arith.cmpf ogt, %scan3A_70#4, %select_n3A_75 : vector<16xf32>
    %eq3A_78 = arith.cmpf oeq, %scan3A_70#4, %select_n3A_75 : vector<16xf32>
    %lt3A_79 = arith.cmpi slt, %scan3A_70#5, %select_n3A_76 : vector<16xi32>
    %and3A_80 = arith.andi %eq3A_78, %lt3A_79 : vector<16xi1>
    %or3A_81 = arith.ori %gt3A_77, %and3A_80 : vector<16xi1>
    %select_n3A_82 = arith.select %or3A_81, %scan3A_70#4, %select_n3A_75 : vector<16xi1>, vector<16xf32>
    %select_n3A_83 = arith.select %or3A_81, %scan3A_70#5, %select_n3A_76 : vector<16xi1>, vector<16xi32>
    %gt3A_84 = arith.cmpf ogt, %scan3A_70#6, %select_n3A_82 : vector<16xf32>
    %eq3A_85 = arith.cmpf oeq, %scan3A_70#6, %select_n3A_82 : vector<16xf32>
    %lt3A_86 = arith.cmpi slt, %scan3A_70#7, %select_n3A_83 : vector<16xi32>
    %and3A_87 = arith.andi %eq3A_85, %lt3A_86 : vector<16xi1>
    %or3A_88 = arith.ori %gt3A_84, %and3A_87 : vector<16xi1>
    %select_n3A_89 = arith.select %or3A_88, %scan3A_70#6, %select_n3A_82 : vector<16xi1>, vector<16xf32>
    %select_n3A_90 = arith.select %or3A_88, %scan3A_70#7, %select_n3A_83 : vector<16xi1>, vector<16xi32>
    %gt3A_91 = arith.cmpf ogt, %scan3A_70#8, %select_n3A_89 : vector<16xf32>
    %eq3A_92 = arith.cmpf oeq, %scan3A_70#8, %select_n3A_89 : vector<16xf32>
    %lt3A_93 = arith.cmpi slt, %scan3A_70#9, %select_n3A_90 : vector<16xi32>
    %and3A_94 = arith.andi %eq3A_92, %lt3A_93 : vector<16xi1>
    %or3A_95 = arith.ori %gt3A_91, %and3A_94 : vector<16xi1>
    %select_n3A_96 = arith.select %or3A_95, %scan3A_70#8, %select_n3A_89 : vector<16xi1>, vector<16xf32>
    %select_n3A_97 = arith.select %or3A_95, %scan3A_70#9, %select_n3A_90 : vector<16xi1>, vector<16xi32>
    %swap3A = arith.constant 0 : index
    %swap3A_98 = tpu.vector_load %arg6[%swap3A] {strides = array<i32>} : memref<16xf32, #tpu.memory_space<vmem>>, vector<16xf32>,
    tpu.vector_store %arg6[%swap3A], %select_n3A_96 {strides = array<i32>} : memref<16xf32, #tpu.memory_space<vmem>>, vector<16xf32>,
    %swap3A_99 = arith.constant 0 : index
    %swap3A_100 = tpu.vector_load %arg7[%swap3A_99] {strides = array<i32>} : memref<16xi32, #tpu.memory_space<vmem>>, vector<16xi32>,
    tpu.vector_store %arg7[%swap3A_99], %select_n3A_97 {strides = array<i32>} : memref<16xi32, #tpu.memory_space<vmem>>, vector<16xi32>,
    %mul3A_101 = arith.constant 16 : i32
    %mul3A_102 = arith.muli %arg1, %mul3A_101 : i32
    "tpu.region"() ({
      %run_scoped3A = tpu.sem_alloc : memref<!tpu.dma_semaphore, #tpu.memory_space<semaphore_mem>>
      %dma_start3A = tpu.memref_slice %arg8[%mul3A_102] : memref<256xf32, #tpu.memory_space<vmem_shared>> -> memref<16xf32, #tpu.memory_space<vmem_shared>>
      %dma_start3A_108 = tpu.memref_slice %arg8[%mul3A_102] : memref<256xf32, #tpu.memory_space<vmem_shared>> -> memref<16xf32, #tpu.memory_space<vmem_shared>>
      tpu.enqueue_dma source(%arg6 : memref<16xf32, #tpu.memory_space<vmem>>) target(%dma_start3A_108 : memref<16xf32, #tpu.memory_space<vmem_shared>>) target_semaphore(%run_scoped3A : memref<!tpu.dma_semaphore, #tpu.memory_space<semaphore_mem>>)
      %dma_wait3A = tpu.memref_slice %arg8[%mul3A_102] : memref<256xf32, #tpu.memory_space<vmem_shared>> -> memref<16xf32, #tpu.memory_space<vmem_shared>>
      %dma_wait3A_109 = tpu.memref_slice %arg8[%mul3A_102] : memref<256xf32, #tpu.memory_space<vmem_shared>> -> memref<16xf32, #tpu.memory_space<vmem_shared>>
      tpu.wait_dma2 semaphore(%run_scoped3A : memref<!tpu.dma_semaphore, #tpu.memory_space<semaphore_mem>>) src(%arg6 : memref<16xf32, #tpu.memory_space<vmem>>) dst(%dma_wait3A_109 : memref<16xf32, #tpu.memory_space<vmem_shared>>)
      tpu.yield
    }) : () -> ()
    %mul3A_103 = arith.constant 16 : i32
    %mul3A_104 = arith.muli %arg1, %mul3A_103 : i32
    "tpu.region"() ({
      %run_scoped3A = tpu.sem_alloc : memref<!tpu.dma_semaphore, #tpu.memory_space<semaphore_mem>>
      %dma_start3A = tpu.memref_slice %arg9[%mul3A_104] : memref<256xi32, #tpu.memory_space<vmem_shared>> -> memref<16xi32, #tpu.memory_space<vmem_shared>>
      %dma_start3A_108 = tpu.memref_slice %arg9[%mul3A_104] : memref<256xi32, #tpu.memory_space<vmem_shared>> -> memref<16xi32, #tpu.memory_space<vmem_shared>>
      tpu.enqueue_dma source(%arg7 : memref<16xi32, #tpu.memory_space<vmem>>) target(%dma_start3A_108 : memref<16xi32, #tpu.memory_space<vmem_shared>>) target_semaphore(%run_scoped3A : memref<!tpu.dma_semaphore, #tpu.memory_space<semaphore_mem>>)
      %dma_wait3A = tpu.memref_slice %arg9[%mul3A_104] : memref<256xi32, #tpu.memory_space<vmem_shared>> -> memref<16xi32, #tpu.memory_space<vmem_shared>>
      %dma_wait3A_109 = tpu.memref_slice %arg9[%mul3A_104] : memref<256xi32, #tpu.memory_space<vmem_shared>> -> memref<16xi32, #tpu.memory_space<vmem_shared>>
      tpu.wait_dma2 semaphore(%run_scoped3A : memref<!tpu.dma_semaphore, #tpu.memory_space<semaphore_mem>>) src(%arg7 : memref<16xi32, #tpu.memory_space<vmem>>) dst(%dma_wait3A_109 : memref<16xi32, #tpu.memory_space<vmem_shared>>)
      tpu.yield
    }) : () -> ()
    %barrier3A = arith.constant 0 : index
    tpu.barrier barrier_id(%barrier3A)
    %lt3A_105 = arith.constant 8 : i32
    %lt3A_106 = arith.cmpi slt, %arg1, %lt3A_105 : i32
    %convert_element_type3A = arith.extui %lt3A_106 : i1 to i32
    %cond3A = arith.constant 0 : i32
    %cond3A_107 = arith.cmpi ne, %convert_element_type3A, %cond3A : i32
    scf.if %cond3A_107 {
      "tpu.region"() ({
        %run_scoped3A = tpu.sem_alloc : memref<!tpu.dma_semaphore, #tpu.memory_space<semaphore_mem>>
        tpu.enqueue_dma source(%arg8 : memref<256xf32, #tpu.memory_space<vmem_shared>>) target(%arg10 : memref<256xf32, #tpu.memory_space<vmem>>) target_semaphore(%run_scoped3A : memref<!tpu.dma_semaphore, #tpu.memory_space<semaphore_mem>>)
        tpu.wait_dma2 semaphore(%run_scoped3A : memref<!tpu.dma_semaphore, #tpu.memory_space<semaphore_mem>>) src(%arg8 : memref<256xf32, #tpu.memory_space<vmem_shared>>) dst(%arg10 : memref<256xf32, #tpu.memory_space<vmem>>)
        tpu.yield
      }) : () -> ()
      "tpu.region"() ({
        %run_scoped3A = tpu.sem_alloc : memref<!tpu.dma_semaphore, #tpu.memory_space<semaphore_mem>>
        tpu.enqueue_dma source(%arg9 : memref<256xi32, #tpu.memory_space<vmem_shared>>) target(%arg11 : memref<256xi32, #tpu.memory_space<vmem>>) target_semaphore(%run_scoped3A : memref<!tpu.dma_semaphore, #tpu.memory_space<semaphore_mem>>)
        tpu.wait_dma2 semaphore(%run_scoped3A : memref<!tpu.dma_semaphore, #tpu.memory_space<semaphore_mem>>) src(%arg9 : memref<256xi32, #tpu.memory_space<vmem_shared>>) dst(%arg11 : memref<256xi32, #tpu.memory_space<vmem>>)
        tpu.yield
      }) : () -> ()
      %mul3A_108 = arith.constant 2 : i32
      %mul3A_109 = arith.muli %mul3A_108, %arg1 : i32
      %add3A_110 = arith.addi %mul3A_109, %arg0 : i32
      %mul3A_111 = arith.constant 16 : i32
      %mul3A_112 = arith.muli %arg1, %mul3A_111 : i32
      %get3A_113 = arith.index_cast %mul3A_112 : i32 to index
      %get3A_114 = tpu.vector_load %arg10[%get3A_113] {strides = array<i32>} : memref<256xf32, #tpu.memory_space<vmem>>, vector<16xf32>,
      %mul3A_115 = arith.constant 16 : i32
      %mul3A_116 = arith.muli %arg1, %mul3A_115 : i32
      %get3A_117 = arith.index_cast %mul3A_116 : i32 to index
      %get3A_118 = tpu.vector_load %arg11[%get3A_117] {strides = array<i32>} : memref<256xi32, #tpu.memory_space<vmem>>, vector<16xi32>,
      %add3A_119 = arith.constant 8 : i32
      %add3A_120 = arith.addi %arg1, %add3A_119 : i32
      %mul3A_121 = arith.constant 16 : i32
      %mul3A_122 = arith.muli %add3A_120, %mul3A_121 : i32
      %get3A_123 = arith.index_cast %mul3A_122 : i32 to index
      %get3A_124 = tpu.vector_load %arg10[%get3A_123] {strides = array<i32>} : memref<256xf32, #tpu.memory_space<vmem>>, vector<16xf32>,
      %add3A_125 = arith.constant 8 : i32
      %add3A_126 = arith.addi %arg1, %add3A_125 : i32
      %mul3A_127 = arith.constant 16 : i32
      %mul3A_128 = arith.muli %add3A_126, %mul3A_127 : i32
      %get3A_129 = arith.index_cast %mul3A_128 : i32 to index
      %get3A_130 = tpu.vector_load %arg11[%get3A_129] {strides = array<i32>} : memref<256xi32, #tpu.memory_space<vmem>>, vector<16xi32>,
      %gt3A_131 = arith.cmpf ogt, %get3A_124, %get3A_114 : vector<16xf32>
      %eq3A_132 = arith.cmpf oeq, %get3A_124, %get3A_114 : vector<16xf32>
      %lt3A_133 = arith.cmpi slt, %get3A_130, %get3A_118 : vector<16xi32>
      %and3A_134 = arith.andi %eq3A_132, %lt3A_133 : vector<16xi1>
      %or3A_135 = arith.ori %gt3A_131, %and3A_134 : vector<16xi1>
      %select_n3A_136 = arith.select %or3A_135, %get3A_124, %get3A_114 : vector<16xi1>, vector<16xf32>
      %select_n3A_137 = arith.select %or3A_135, %get3A_130, %get3A_118 : vector<16xi1>, vector<16xi32>
      %reduce_max3A = arith.constant true
      %reduce_max3A_138 = vector.broadcast %reduce_max3A : i1 to vector<16xi1>
      %reduce_max3A_139 = tpu.scan <max>, %select_n3A_136 masked %reduce_max3A_138 : vector<16xf32>, vector<16xi1> -> vector<16xf32>
      %reduce_max3A_140 = vector.extract %reduce_max3A_139[15] : f32 from vector<16xf32>
      %eq3A_141 = vector.broadcast %reduce_max3A_140 : f32 to vector<16xf32>
      %eq3A_142 = arith.cmpf oeq, %select_n3A_136, %eq3A_141 : vector<16xf32>
      %jit3A_143 = arith.constant 2147483647 : i32
      %broadcast_in_dim3A = vector.broadcast %jit3A_143 : i32 to vector<16xi32>
      %select_n3A_144 = arith.select %eq3A_142, %select_n3A_137, %broadcast_in_dim3A : vector<16xi1>, vector<16xi32>
      %reduce_min3A = arith.constant true
      %reduce_min3A_145 = vector.broadcast %reduce_min3A : i1 to vector<16xi1>
      %reduce_min3A_146 = arith.constant -2147483648 : i32
      %reduce_min3A_147 = vector.broadcast %reduce_min3A_146 : i32 to vector<16xi32>
      %reduce_min3A_148 = arith.xori %select_n3A_144, %reduce_min3A_147 : vector<16xi32>
      %reduce_min3A_149 = tpu.scan <min>, %reduce_min3A_148 masked %reduce_min3A_145 : vector<16xi32>, vector<16xi1> -> vector<16xi32>
      %reduce_min3A_150 = arith.xori %reduce_min3A_149, %reduce_min3A_147 : vector<16xi32>
      %reduce_min3A_151 = vector.extract %reduce_min3A_150[15] : i32 from vector<16xi32>
      %broadcast_in_dim3A_152 = arith.constant 0.000000e+00 : f32
      %broadcast_in_dim3A_153 = vector.broadcast %broadcast_in_dim3A_152 : f32 to vector<16xf32>
      %add3A_154 = vector.broadcast %reduce_max3A_140 : f32 to vector<16xf32>
      %add3A_155 = arith.addf %broadcast_in_dim3A_153, %add3A_154 : vector<16xf32>
      %swap3A_156 = arith.constant 0 : index
      %swap3A_157 = tpu.vector_load %arg12[%swap3A_156] {strides = array<i32>} : memref<16xf32, #tpu.memory_space<vmem>>, vector<16xf32>,
      tpu.vector_store %arg12[%swap3A_156], %add3A_155 {strides = array<i32>} : memref<16xf32, #tpu.memory_space<vmem>>, vector<16xf32>,
      %broadcast_in_dim3A_158 = arith.constant 0 : i32
      %broadcast_in_dim3A_159 = vector.broadcast %broadcast_in_dim3A_158 : i32 to vector<16xi32>
      %add3A_160 = vector.broadcast %reduce_min3A_151 : i32 to vector<16xi32>
      %add3A_161 = arith.addi %broadcast_in_dim3A_159, %add3A_160 : vector<16xi32>
      %swap3A_162 = arith.constant 0 : index
      %swap3A_163 = tpu.vector_load %arg13[%swap3A_162] {strides = array<i32>} : memref<16xi32, #tpu.memory_space<vmem>>, vector<16xi32>,
      tpu.vector_store %arg13[%swap3A_162], %add3A_161 {strides = array<i32>} : memref<16xi32, #tpu.memory_space<vmem>>, vector<16xi32>,
      %mul3A_164 = arith.constant 16 : i32
      %mul3A_165 = arith.muli %add3A_110, %mul3A_164 : i32
      "tpu.region"() ({
        %run_scoped3A = tpu.sem_alloc : memref<!tpu.dma_semaphore, #tpu.memory_space<semaphore_mem>>
        %dma_start3A = tpu.memref_slice %arg3[%mul3A_165] : memref<256xf32, #tpu.memory_space<hbm>> -> memref<16xf32, #tpu.memory_space<hbm>>
        %dma_start3A_168 = tpu.memref_slice %arg3[%mul3A_165] : memref<256xf32, #tpu.memory_space<hbm>> -> memref<16xf32, #tpu.memory_space<hbm>>
        tpu.enqueue_dma source(%arg12 : memref<16xf32, #tpu.memory_space<vmem>>) target(%dma_start3A_168 : memref<16xf32, #tpu.memory_space<hbm>>) target_semaphore(%run_scoped3A : memref<!tpu.dma_semaphore, #tpu.memory_space<semaphore_mem>>)
        %dma_wait3A = tpu.memref_slice %arg3[%mul3A_165] : memref<256xf32, #tpu.memory_space<hbm>> -> memref<16xf32, #tpu.memory_space<hbm>>
        %dma_wait3A_169 = tpu.memref_slice %arg3[%mul3A_165] : memref<256xf32, #tpu.memory_space<hbm>> -> memref<16xf32, #tpu.memory_space<hbm>>
        tpu.wait_dma2 semaphore(%run_scoped3A : memref<!tpu.dma_semaphore, #tpu.memory_space<semaphore_mem>>) src(%arg12 : memref<16xf32, #tpu.memory_space<vmem>>) dst(%dma_wait3A_169 : memref<16xf32, #tpu.memory_space<hbm>>)
        tpu.yield
      }) : () -> ()
      %mul3A_166 = arith.constant 16 : i32
      %mul3A_167 = arith.muli %add3A_110, %mul3A_166 : i32
      "tpu.region"() ({
        %run_scoped3A = tpu.sem_alloc : memref<!tpu.dma_semaphore, #tpu.memory_space<semaphore_mem>>
        %dma_start3A = tpu.memref_slice %arg4[%mul3A_167] : memref<256xi32, #tpu.memory_space<hbm>> -> memref<16xi32, #tpu.memory_space<hbm>>
        %dma_start3A_168 = tpu.memref_slice %arg4[%mul3A_167] : memref<256xi32, #tpu.memory_space<hbm>> -> memref<16xi32, #tpu.memory_space<hbm>>
        tpu.enqueue_dma source(%arg13 : memref<16xi32, #tpu.memory_space<vmem>>) target(%dma_start3A_168 : memref<16xi32, #tpu.memory_space<hbm>>) target_semaphore(%run_scoped3A : memref<!tpu.dma_semaphore, #tpu.memory_space<semaphore_mem>>)
        %dma_wait3A = tpu.memref_slice %arg4[%mul3A_167] : memref<256xi32, #tpu.memory_space<hbm>> -> memref<16xi32, #tpu.memory_space<hbm>>
        %dma_wait3A_169 = tpu.memref_slice %arg4[%mul3A_167] : memref<256xi32, #tpu.memory_space<hbm>> -> memref<16xi32, #tpu.memory_space<hbm>>
        tpu.wait_dma2 semaphore(%run_scoped3A : memref<!tpu.dma_semaphore, #tpu.memory_space<semaphore_mem>>) src(%arg13 : memref<16xi32, #tpu.memory_space<vmem>>) dst(%dma_wait3A_169 : memref<16xi32, #tpu.memory_space<hbm>>)
        tpu.yield
      }) : () -> ()
    } else {
    }
    return
  }
}

module attributes {stable_mosaic.version = 14 : i64} {
  func.func @_tc_body(%arg0: memref<256xi32, #tpu.memory_space<smem>>, %arg1: memref<256xf32, #tpu.memory_space<smem>>, %arg2: memref<6x16x20000xf32, #tpu.memory_space<any>>, %arg3: memref<6x16x20000xf32, #tpu.memory_space<any>>, %arg4: memref<16xf32, #tpu.memory_space<vmem>>, %arg5: memref<6x16xf32, #tpu.memory_space<vmem>>, %arg6: memref<6x16x8x128xf32, #tpu.memory_space<vmem>>, %arg7: memref<6x16x8x128xf32, #tpu.memory_space<vmem>>, %arg8: memref<!tpu.dma_semaphore, #tpu.memory_space<semaphore_mem>>, %arg9: memref<!tpu.dma_semaphore, #tpu.memory_space<semaphore_mem>>) attributes {dimension_semantics = [], scalar_prefetch = 0 : i64, scratch_operands = 4 : i64, tpu.core_type = #tpu.core_type<tc>} {
    %get3A = arith.constant 0 : index
    %get3A_0 = memref.load %arg0[%get3A] : memref<256xi32, #tpu.memory_space<smem>>
    %jit3A = arith.constant 128 : i32
    %div3A = arith.divsi %get3A_0, %jit3A : i32
    %sign3A = arith.constant 0 : i32
    %sign3A_1 = arith.cmpi sgt, %get3A_0, %sign3A : i32
    %sign3A_2 = arith.extui %sign3A_1 : i1 to i32
    %sign3A_3 = arith.constant 0 : i32
    %sign3A_4 = arith.cmpi slt, %get3A_0, %sign3A_3 : i32
    %sign3A_5 = arith.extui %sign3A_4 : i1 to i32
    %sign3A_6 = arith.subi %sign3A_2, %sign3A_5 : i32
    %sign3A_7 = arith.constant 0 : i32
    %sign3A_8 = arith.cmpi sgt, %jit3A, %sign3A_7 : i32
    %sign3A_9 = arith.extui %sign3A_8 : i1 to i32
    %sign3A_10 = arith.constant 0 : i32
    %sign3A_11 = arith.cmpi slt, %jit3A, %sign3A_10 : i32
    %sign3A_12 = arith.extui %sign3A_11 : i1 to i32
    %sign3A_13 = arith.subi %sign3A_9, %sign3A_12 : i32
    %ne3A = arith.cmpi ne, %sign3A_6, %sign3A_13 : i32
    %rem3A = arith.remsi %get3A_0, %jit3A : i32
    %ne3A_14 = arith.constant 0 : i32
    %ne3A_15 = arith.cmpi ne, %rem3A, %ne3A_14 : i32
    %and3A = arith.andi %ne3A, %ne3A_15 : i1
    %sub3A = arith.constant 1 : i32
    %sub3A_16 = arith.subi %div3A, %sub3A : i32
    %select_n3A = arith.select %and3A, %sub3A_16, %div3A : i32
    %mul3A = arith.constant 128 : i32
    %mul3A_17 = arith.muli %select_n3A, %mul3A : i32
    %get3A_18 = arith.constant 16 : index
    %get3A_19 = memref.load %arg0[%get3A_18] : memref<256xi32, #tpu.memory_space<smem>>
    %jit3A_20 = arith.constant 128 : i32
    %div3A_21 = arith.divsi %get3A_19, %jit3A_20 : i32
    %sign3A_22 = arith.constant 0 : i32
    %sign3A_23 = arith.cmpi sgt, %get3A_19, %sign3A_22 : i32
    %sign3A_24 = arith.extui %sign3A_23 : i1 to i32
    %sign3A_25 = arith.constant 0 : i32
    %sign3A_26 = arith.cmpi slt, %get3A_19, %sign3A_25 : i32
    %sign3A_27 = arith.extui %sign3A_26 : i1 to i32
    %sign3A_28 = arith.subi %sign3A_24, %sign3A_27 : i32
    %sign3A_29 = arith.constant 0 : i32
    %sign3A_30 = arith.cmpi sgt, %jit3A_20, %sign3A_29 : i32
    %sign3A_31 = arith.extui %sign3A_30 : i1 to i32
    %sign3A_32 = arith.constant 0 : i32
    %sign3A_33 = arith.cmpi slt, %jit3A_20, %sign3A_32 : i32
    %sign3A_34 = arith.extui %sign3A_33 : i1 to i32
    %sign3A_35 = arith.subi %sign3A_31, %sign3A_34 : i32
    %ne3A_36 = arith.cmpi ne, %sign3A_28, %sign3A_35 : i32
    %rem3A_37 = arith.remsi %get3A_19, %jit3A_20 : i32
    %ne3A_38 = arith.constant 0 : i32
    %ne3A_39 = arith.cmpi ne, %rem3A_37, %ne3A_38 : i32
    %and3A_40 = arith.andi %ne3A_36, %ne3A_39 : i1
    %sub3A_41 = arith.constant 1 : i32
    %sub3A_42 = arith.subi %div3A_21, %sub3A_41 : i32
    %select_n3A_43 = arith.select %and3A_40, %sub3A_42, %div3A_21 : i32
    %mul3A_44 = arith.constant 128 : i32
    %mul3A_45 = arith.muli %select_n3A_43, %mul3A_44 : i32
    %get3A_46 = arith.constant 32 : index
    %get3A_47 = memref.load %arg0[%get3A_46] : memref<256xi32, #tpu.memory_space<smem>>
    %jit3A_48 = arith.constant 128 : i32
    %div3A_49 = arith.divsi %get3A_47, %jit3A_48 : i32
    %sign3A_50 = arith.constant 0 : i32
    %sign3A_51 = arith.cmpi sgt, %get3A_47, %sign3A_50 : i32
    %sign3A_52 = arith.extui %sign3A_51 : i1 to i32
    %sign3A_53 = arith.constant 0 : i32
    %sign3A_54 = arith.cmpi slt, %get3A_47, %sign3A_53 : i32
    %sign3A_55 = arith.extui %sign3A_54 : i1 to i32
    %sign3A_56 = arith.subi %sign3A_52, %sign3A_55 : i32
    %sign3A_57 = arith.constant 0 : i32
    %sign3A_58 = arith.cmpi sgt, %jit3A_48, %sign3A_57 : i32
    %sign3A_59 = arith.extui %sign3A_58 : i1 to i32
    %sign3A_60 = arith.constant 0 : i32
    %sign3A_61 = arith.cmpi slt, %jit3A_48, %sign3A_60 : i32
    %sign3A_62 = arith.extui %sign3A_61 : i1 to i32
    %sign3A_63 = arith.subi %sign3A_59, %sign3A_62 : i32
    %ne3A_64 = arith.cmpi ne, %sign3A_56, %sign3A_63 : i32
    %rem3A_65 = arith.remsi %get3A_47, %jit3A_48 : i32
    %ne3A_66 = arith.constant 0 : i32
    %ne3A_67 = arith.cmpi ne, %rem3A_65, %ne3A_66 : i32
    %and3A_68 = arith.andi %ne3A_64, %ne3A_67 : i1
    %sub3A_69 = arith.constant 1 : i32
    %sub3A_70 = arith.subi %div3A_49, %sub3A_69 : i32
    %select_n3A_71 = arith.select %and3A_68, %sub3A_70, %div3A_49 : i32
    %mul3A_72 = arith.constant 128 : i32
    %mul3A_73 = arith.muli %select_n3A_71, %mul3A_72 : i32
    %get3A_74 = arith.constant 48 : index
    %get3A_75 = memref.load %arg0[%get3A_74] : memref<256xi32, #tpu.memory_space<smem>>
    %jit3A_76 = arith.constant 128 : i32
    %div3A_77 = arith.divsi %get3A_75, %jit3A_76 : i32
    %sign3A_78 = arith.constant 0 : i32
    %sign3A_79 = arith.cmpi sgt, %get3A_75, %sign3A_78 : i32
    %sign3A_80 = arith.extui %sign3A_79 : i1 to i32
    %sign3A_81 = arith.constant 0 : i32
    %sign3A_82 = arith.cmpi slt, %get3A_75, %sign3A_81 : i32
    %sign3A_83 = arith.extui %sign3A_82 : i1 to i32
    %sign3A_84 = arith.subi %sign3A_80, %sign3A_83 : i32
    %sign3A_85 = arith.constant 0 : i32
    %sign3A_86 = arith.cmpi sgt, %jit3A_76, %sign3A_85 : i32
    %sign3A_87 = arith.extui %sign3A_86 : i1 to i32
    %sign3A_88 = arith.constant 0 : i32
    %sign3A_89 = arith.cmpi slt, %jit3A_76, %sign3A_88 : i32
    %sign3A_90 = arith.extui %sign3A_89 : i1 to i32
    %sign3A_91 = arith.subi %sign3A_87, %sign3A_90 : i32
    %ne3A_92 = arith.cmpi ne, %sign3A_84, %sign3A_91 : i32
    %rem3A_93 = arith.remsi %get3A_75, %jit3A_76 : i32
    %ne3A_94 = arith.constant 0 : i32
    %ne3A_95 = arith.cmpi ne, %rem3A_93, %ne3A_94 : i32
    %and3A_96 = arith.andi %ne3A_92, %ne3A_95 : i1
    %sub3A_97 = arith.constant 1 : i32
    %sub3A_98 = arith.subi %div3A_77, %sub3A_97 : i32
    %select_n3A_99 = arith.select %and3A_96, %sub3A_98, %div3A_77 : i32
    %mul3A_100 = arith.constant 128 : i32
    %mul3A_101 = arith.muli %select_n3A_99, %mul3A_100 : i32
    %get3A_102 = arith.constant 64 : index
    %get3A_103 = memref.load %arg0[%get3A_102] : memref<256xi32, #tpu.memory_space<smem>>
    %jit3A_104 = arith.constant 128 : i32
    %div3A_105 = arith.divsi %get3A_103, %jit3A_104 : i32
    %sign3A_106 = arith.constant 0 : i32
    %sign3A_107 = arith.cmpi sgt, %get3A_103, %sign3A_106 : i32
    %sign3A_108 = arith.extui %sign3A_107 : i1 to i32
    %sign3A_109 = arith.constant 0 : i32
    %sign3A_110 = arith.cmpi slt, %get3A_103, %sign3A_109 : i32
    %sign3A_111 = arith.extui %sign3A_110 : i1 to i32
    %sign3A_112 = arith.subi %sign3A_108, %sign3A_111 : i32
    %sign3A_113 = arith.constant 0 : i32
    %sign3A_114 = arith.cmpi sgt, %jit3A_104, %sign3A_113 : i32
    %sign3A_115 = arith.extui %sign3A_114 : i1 to i32
    %sign3A_116 = arith.constant 0 : i32
    %sign3A_117 = arith.cmpi slt, %jit3A_104, %sign3A_116 : i32
    %sign3A_118 = arith.extui %sign3A_117 : i1 to i32
    %sign3A_119 = arith.subi %sign3A_115, %sign3A_118 : i32
    %ne3A_120 = arith.cmpi ne, %sign3A_112, %sign3A_119 : i32
    %rem3A_121 = arith.remsi %get3A_103, %jit3A_104 : i32
    %ne3A_122 = arith.constant 0 : i32
    %ne3A_123 = arith.cmpi ne, %rem3A_121, %ne3A_122 : i32
    %and3A_124 = arith.andi %ne3A_120, %ne3A_123 : i1
    %sub3A_125 = arith.constant 1 : i32
    %sub3A_126 = arith.subi %div3A_105, %sub3A_125 : i32
    %select_n3A_127 = arith.select %and3A_124, %sub3A_126, %div3A_105 : i32
    %mul3A_128 = arith.constant 128 : i32
    %mul3A_129 = arith.muli %select_n3A_127, %mul3A_128 : i32
    %get3A_130 = arith.constant 80 : index
    %get3A_131 = memref.load %arg0[%get3A_130] : memref<256xi32, #tpu.memory_space<smem>>
    %jit3A_132 = arith.constant 128 : i32
    %div3A_133 = arith.divsi %get3A_131, %jit3A_132 : i32
    %sign3A_134 = arith.constant 0 : i32
    %sign3A_135 = arith.cmpi sgt, %get3A_131, %sign3A_134 : i32
    %sign3A_136 = arith.extui %sign3A_135 : i1 to i32
    %sign3A_137 = arith.constant 0 : i32
    %sign3A_138 = arith.cmpi slt, %get3A_131, %sign3A_137 : i32
    %sign3A_139 = arith.extui %sign3A_138 : i1 to i32
    %sign3A_140 = arith.subi %sign3A_136, %sign3A_139 : i32
    %sign3A_141 = arith.constant 0 : i32
    %sign3A_142 = arith.cmpi sgt, %jit3A_132, %sign3A_141 : i32
    %sign3A_143 = arith.extui %sign3A_142 : i1 to i32
    %sign3A_144 = arith.constant 0 : i32
    %sign3A_145 = arith.cmpi slt, %jit3A_132, %sign3A_144 : i32
    %sign3A_146 = arith.extui %sign3A_145 : i1 to i32
    %sign3A_147 = arith.subi %sign3A_143, %sign3A_146 : i32
    %ne3A_148 = arith.cmpi ne, %sign3A_140, %sign3A_147 : i32
    %rem3A_149 = arith.remsi %get3A_131, %jit3A_132 : i32
    %ne3A_150 = arith.constant 0 : i32
    %ne3A_151 = arith.cmpi ne, %rem3A_149, %ne3A_150 : i32
    %and3A_152 = arith.andi %ne3A_148, %ne3A_151 : i1
    %sub3A_153 = arith.constant 1 : i32
    %sub3A_154 = arith.subi %div3A_133, %sub3A_153 : i32
    %select_n3A_155 = arith.select %and3A_152, %sub3A_154, %div3A_133 : i32
    %mul3A_156 = arith.constant 128 : i32
    %mul3A_157 = arith.muli %select_n3A_155, %mul3A_156 : i32
    %get3A_158 = arith.constant 96 : index
    %get3A_159 = memref.load %arg0[%get3A_158] : memref<256xi32, #tpu.memory_space<smem>>
    %jit3A_160 = arith.constant 128 : i32
    %div3A_161 = arith.divsi %get3A_159, %jit3A_160 : i32
    %sign3A_162 = arith.constant 0 : i32
    %sign3A_163 = arith.cmpi sgt, %get3A_159, %sign3A_162 : i32
    %sign3A_164 = arith.extui %sign3A_163 : i1 to i32
    %sign3A_165 = arith.constant 0 : i32
    %sign3A_166 = arith.cmpi slt, %get3A_159, %sign3A_165 : i32
    %sign3A_167 = arith.extui %sign3A_166 : i1 to i32
    %sign3A_168 = arith.subi %sign3A_164, %sign3A_167 : i32
    %sign3A_169 = arith.constant 0 : i32
    %sign3A_170 = arith.cmpi sgt, %jit3A_160, %sign3A_169 : i32
    %sign3A_171 = arith.extui %sign3A_170 : i1 to i32
    %sign3A_172 = arith.constant 0 : i32
    %sign3A_173 = arith.cmpi slt, %jit3A_160, %sign3A_172 : i32
    %sign3A_174 = arith.extui %sign3A_173 : i1 to i32
    %sign3A_175 = arith.subi %sign3A_171, %sign3A_174 : i32
    %ne3A_176 = arith.cmpi ne, %sign3A_168, %sign3A_175 : i32
    %rem3A_177 = arith.remsi %get3A_159, %jit3A_160 : i32
    %ne3A_178 = arith.constant 0 : i32
    %ne3A_179 = arith.cmpi ne, %rem3A_177, %ne3A_178 : i32
    %and3A_180 = arith.andi %ne3A_176, %ne3A_179 : i1
    %sub3A_181 = arith.constant 1 : i32
    %sub3A_182 = arith.subi %div3A_161, %sub3A_181 : i32
    %select_n3A_183 = arith.select %and3A_180, %sub3A_182, %div3A_161 : i32
    %mul3A_184 = arith.constant 128 : i32
    %mul3A_185 = arith.muli %select_n3A_183, %mul3A_184 : i32
    %get3A_186 = arith.constant 112 : index
    %get3A_187 = memref.load %arg0[%get3A_186] : memref<256xi32, #tpu.memory_space<smem>>
    %jit3A_188 = arith.constant 128 : i32
    %div3A_189 = arith.divsi %get3A_187, %jit3A_188 : i32
    %sign3A_190 = arith.constant 0 : i32
    %sign3A_191 = arith.cmpi sgt, %get3A_187, %sign3A_190 : i32
    %sign3A_192 = arith.extui %sign3A_191 : i1 to i32
    %sign3A_193 = arith.constant 0 : i32
    %sign3A_194 = arith.cmpi slt, %get3A_187, %sign3A_193 : i32
    %sign3A_195 = arith.extui %sign3A_194 : i1 to i32
    %sign3A_196 = arith.subi %sign3A_192, %sign3A_195 : i32
    %sign3A_197 = arith.constant 0 : i32
    %sign3A_198 = arith.cmpi sgt, %jit3A_188, %sign3A_197 : i32
    %sign3A_199 = arith.extui %sign3A_198 : i1 to i32
    %sign3A_200 = arith.constant 0 : i32
    %sign3A_201 = arith.cmpi slt, %jit3A_188, %sign3A_200 : i32
    %sign3A_202 = arith.extui %sign3A_201 : i1 to i32
    %sign3A_203 = arith.subi %sign3A_199, %sign3A_202 : i32
    %ne3A_204 = arith.cmpi ne, %sign3A_196, %sign3A_203 : i32
    %rem3A_205 = arith.remsi %get3A_187, %jit3A_188 : i32
    %ne3A_206 = arith.constant 0 : i32
    %ne3A_207 = arith.cmpi ne, %rem3A_205, %ne3A_206 : i32
    %and3A_208 = arith.andi %ne3A_204, %ne3A_207 : i1
    %sub3A_209 = arith.constant 1 : i32
    %sub3A_210 = arith.subi %div3A_189, %sub3A_209 : i32
    %select_n3A_211 = arith.select %and3A_208, %sub3A_210, %div3A_189 : i32
    %mul3A_212 = arith.constant 128 : i32
    %mul3A_213 = arith.muli %select_n3A_211, %mul3A_212 : i32
    %get3A_214 = arith.constant 128 : index
    %get3A_215 = memref.load %arg0[%get3A_214] : memref<256xi32, #tpu.memory_space<smem>>
    %jit3A_216 = arith.constant 128 : i32
    %div3A_217 = arith.divsi %get3A_215, %jit3A_216 : i32
    %sign3A_218 = arith.constant 0 : i32
    %sign3A_219 = arith.cmpi sgt, %get3A_215, %sign3A_218 : i32
    %sign3A_220 = arith.extui %sign3A_219 : i1 to i32
    %sign3A_221 = arith.constant 0 : i32
    %sign3A_222 = arith.cmpi slt, %get3A_215, %sign3A_221 : i32
    %sign3A_223 = arith.extui %sign3A_222 : i1 to i32
    %sign3A_224 = arith.subi %sign3A_220, %sign3A_223 : i32
    %sign3A_225 = arith.constant 0 : i32
    %sign3A_226 = arith.cmpi sgt, %jit3A_216, %sign3A_225 : i32
    %sign3A_227 = arith.extui %sign3A_226 : i1 to i32
    %sign3A_228 = arith.constant 0 : i32
    %sign3A_229 = arith.cmpi slt, %jit3A_216, %sign3A_228 : i32
    %sign3A_230 = arith.extui %sign3A_229 : i1 to i32
    %sign3A_231 = arith.subi %sign3A_227, %sign3A_230 : i32
    %ne3A_232 = arith.cmpi ne, %sign3A_224, %sign3A_231 : i32
    %rem3A_233 = arith.remsi %get3A_215, %jit3A_216 : i32
    %ne3A_234 = arith.constant 0 : i32
    %ne3A_235 = arith.cmpi ne, %rem3A_233, %ne3A_234 : i32
    %and3A_236 = arith.andi %ne3A_232, %ne3A_235 : i1
    %sub3A_237 = arith.constant 1 : i32
    %sub3A_238 = arith.subi %div3A_217, %sub3A_237 : i32
    %select_n3A_239 = arith.select %and3A_236, %sub3A_238, %div3A_217 : i32
    %mul3A_240 = arith.constant 128 : i32
    %mul3A_241 = arith.muli %select_n3A_239, %mul3A_240 : i32
    %get3A_242 = arith.constant 144 : index
    %get3A_243 = memref.load %arg0[%get3A_242] : memref<256xi32, #tpu.memory_space<smem>>
    %jit3A_244 = arith.constant 128 : i32
    %div3A_245 = arith.divsi %get3A_243, %jit3A_244 : i32
    %sign3A_246 = arith.constant 0 : i32
    %sign3A_247 = arith.cmpi sgt, %get3A_243, %sign3A_246 : i32
    %sign3A_248 = arith.extui %sign3A_247 : i1 to i32
    %sign3A_249 = arith.constant 0 : i32
    %sign3A_250 = arith.cmpi slt, %get3A_243, %sign3A_249 : i32
    %sign3A_251 = arith.extui %sign3A_250 : i1 to i32
    %sign3A_252 = arith.subi %sign3A_248, %sign3A_251 : i32
    %sign3A_253 = arith.constant 0 : i32
    %sign3A_254 = arith.cmpi sgt, %jit3A_244, %sign3A_253 : i32
    %sign3A_255 = arith.extui %sign3A_254 : i1 to i32
    %sign3A_256 = arith.constant 0 : i32
    %sign3A_257 = arith.cmpi slt, %jit3A_244, %sign3A_256 : i32
    %sign3A_258 = arith.extui %sign3A_257 : i1 to i32
    %sign3A_259 = arith.subi %sign3A_255, %sign3A_258 : i32
    %ne3A_260 = arith.cmpi ne, %sign3A_252, %sign3A_259 : i32
    %rem3A_261 = arith.remsi %get3A_243, %jit3A_244 : i32
    %ne3A_262 = arith.constant 0 : i32
    %ne3A_263 = arith.cmpi ne, %rem3A_261, %ne3A_262 : i32
    %and3A_264 = arith.andi %ne3A_260, %ne3A_263 : i1
    %sub3A_265 = arith.constant 1 : i32
    %sub3A_266 = arith.subi %div3A_245, %sub3A_265 : i32
    %select_n3A_267 = arith.select %and3A_264, %sub3A_266, %div3A_245 : i32
    %mul3A_268 = arith.constant 128 : i32
    %mul3A_269 = arith.muli %select_n3A_267, %mul3A_268 : i32
    %get3A_270 = arith.constant 160 : index
    %get3A_271 = memref.load %arg0[%get3A_270] : memref<256xi32, #tpu.memory_space<smem>>
    %jit3A_272 = arith.constant 128 : i32
    %div3A_273 = arith.divsi %get3A_271, %jit3A_272 : i32
    %sign3A_274 = arith.constant 0 : i32
    %sign3A_275 = arith.cmpi sgt, %get3A_271, %sign3A_274 : i32
    %sign3A_276 = arith.extui %sign3A_275 : i1 to i32
    %sign3A_277 = arith.constant 0 : i32
    %sign3A_278 = arith.cmpi slt, %get3A_271, %sign3A_277 : i32
    %sign3A_279 = arith.extui %sign3A_278 : i1 to i32
    %sign3A_280 = arith.subi %sign3A_276, %sign3A_279 : i32
    %sign3A_281 = arith.constant 0 : i32
    %sign3A_282 = arith.cmpi sgt, %jit3A_272, %sign3A_281 : i32
    %sign3A_283 = arith.extui %sign3A_282 : i1 to i32
    %sign3A_284 = arith.constant 0 : i32
    %sign3A_285 = arith.cmpi slt, %jit3A_272, %sign3A_284 : i32
    %sign3A_286 = arith.extui %sign3A_285 : i1 to i32
    %sign3A_287 = arith.subi %sign3A_283, %sign3A_286 : i32
    %ne3A_288 = arith.cmpi ne, %sign3A_280, %sign3A_287 : i32
    %rem3A_289 = arith.remsi %get3A_271, %jit3A_272 : i32
    %ne3A_290 = arith.constant 0 : i32
    %ne3A_291 = arith.cmpi ne, %rem3A_289, %ne3A_290 : i32
    %and3A_292 = arith.andi %ne3A_288, %ne3A_291 : i1
    %sub3A_293 = arith.constant 1 : i32
    %sub3A_294 = arith.subi %div3A_273, %sub3A_293 : i32
    %select_n3A_295 = arith.select %and3A_292, %sub3A_294, %div3A_273 : i32
    %mul3A_296 = arith.constant 128 : i32
    %mul3A_297 = arith.muli %select_n3A_295, %mul3A_296 : i32
    %get3A_298 = arith.constant 176 : index
    %get3A_299 = memref.load %arg0[%get3A_298] : memref<256xi32, #tpu.memory_space<smem>>
    %jit3A_300 = arith.constant 128 : i32
    %div3A_301 = arith.divsi %get3A_299, %jit3A_300 : i32
    %sign3A_302 = arith.constant 0 : i32
    %sign3A_303 = arith.cmpi sgt, %get3A_299, %sign3A_302 : i32
    %sign3A_304 = arith.extui %sign3A_303 : i1 to i32
    %sign3A_305 = arith.constant 0 : i32
    %sign3A_306 = arith.cmpi slt, %get3A_299, %sign3A_305 : i32
    %sign3A_307 = arith.extui %sign3A_306 : i1 to i32
    %sign3A_308 = arith.subi %sign3A_304, %sign3A_307 : i32
    %sign3A_309 = arith.constant 0 : i32
    %sign3A_310 = arith.cmpi sgt, %jit3A_300, %sign3A_309 : i32
    %sign3A_311 = arith.extui %sign3A_310 : i1 to i32
    %sign3A_312 = arith.constant 0 : i32
    %sign3A_313 = arith.cmpi slt, %jit3A_300, %sign3A_312 : i32
    %sign3A_314 = arith.extui %sign3A_313 : i1 to i32
    %sign3A_315 = arith.subi %sign3A_311, %sign3A_314 : i32
    %ne3A_316 = arith.cmpi ne, %sign3A_308, %sign3A_315 : i32
    %rem3A_317 = arith.remsi %get3A_299, %jit3A_300 : i32
    %ne3A_318 = arith.constant 0 : i32
    %ne3A_319 = arith.cmpi ne, %rem3A_317, %ne3A_318 : i32
    %and3A_320 = arith.andi %ne3A_316, %ne3A_319 : i1
    %sub3A_321 = arith.constant 1 : i32
    %sub3A_322 = arith.subi %div3A_301, %sub3A_321 : i32
    %select_n3A_323 = arith.select %and3A_320, %sub3A_322, %div3A_301 : i32
    %mul3A_324 = arith.constant 128 : i32
    %mul3A_325 = arith.muli %select_n3A_323, %mul3A_324 : i32
    %get3A_326 = arith.constant 192 : index
    %get3A_327 = memref.load %arg0[%get3A_326] : memref<256xi32, #tpu.memory_space<smem>>
    %jit3A_328 = arith.constant 128 : i32
    %div3A_329 = arith.divsi %get3A_327, %jit3A_328 : i32
    %sign3A_330 = arith.constant 0 : i32
    %sign3A_331 = arith.cmpi sgt, %get3A_327, %sign3A_330 : i32
    %sign3A_332 = arith.extui %sign3A_331 : i1 to i32
    %sign3A_333 = arith.constant 0 : i32
    %sign3A_334 = arith.cmpi slt, %get3A_327, %sign3A_333 : i32
    %sign3A_335 = arith.extui %sign3A_334 : i1 to i32
    %sign3A_336 = arith.subi %sign3A_332, %sign3A_335 : i32
    %sign3A_337 = arith.constant 0 : i32
    %sign3A_338 = arith.cmpi sgt, %jit3A_328, %sign3A_337 : i32
    %sign3A_339 = arith.extui %sign3A_338 : i1 to i32
    %sign3A_340 = arith.constant 0 : i32
    %sign3A_341 = arith.cmpi slt, %jit3A_328, %sign3A_340 : i32
    %sign3A_342 = arith.extui %sign3A_341 : i1 to i32
    %sign3A_343 = arith.subi %sign3A_339, %sign3A_342 : i32
    %ne3A_344 = arith.cmpi ne, %sign3A_336, %sign3A_343 : i32
    %rem3A_345 = arith.remsi %get3A_327, %jit3A_328 : i32
    %ne3A_346 = arith.constant 0 : i32
    %ne3A_347 = arith.cmpi ne, %rem3A_345, %ne3A_346 : i32
    %and3A_348 = arith.andi %ne3A_344, %ne3A_347 : i1
    %sub3A_349 = arith.constant 1 : i32
    %sub3A_350 = arith.subi %div3A_329, %sub3A_349 : i32
    %select_n3A_351 = arith.select %and3A_348, %sub3A_350, %div3A_329 : i32
    %mul3A_352 = arith.constant 128 : i32
    %mul3A_353 = arith.muli %select_n3A_351, %mul3A_352 : i32
    %get3A_354 = arith.constant 208 : index
    %get3A_355 = memref.load %arg0[%get3A_354] : memref<256xi32, #tpu.memory_space<smem>>
    %jit3A_356 = arith.constant 128 : i32
    %div3A_357 = arith.divsi %get3A_355, %jit3A_356 : i32
    %sign3A_358 = arith.constant 0 : i32
    %sign3A_359 = arith.cmpi sgt, %get3A_355, %sign3A_358 : i32
    %sign3A_360 = arith.extui %sign3A_359 : i1 to i32
    %sign3A_361 = arith.constant 0 : i32
    %sign3A_362 = arith.cmpi slt, %get3A_355, %sign3A_361 : i32
    %sign3A_363 = arith.extui %sign3A_362 : i1 to i32
    %sign3A_364 = arith.subi %sign3A_360, %sign3A_363 : i32
    %sign3A_365 = arith.constant 0 : i32
    %sign3A_366 = arith.cmpi sgt, %jit3A_356, %sign3A_365 : i32
    %sign3A_367 = arith.extui %sign3A_366 : i1 to i32
    %sign3A_368 = arith.constant 0 : i32
    %sign3A_369 = arith.cmpi slt, %jit3A_356, %sign3A_368 : i32
    %sign3A_370 = arith.extui %sign3A_369 : i1 to i32
    %sign3A_371 = arith.subi %sign3A_367, %sign3A_370 : i32
    %ne3A_372 = arith.cmpi ne, %sign3A_364, %sign3A_371 : i32
    %rem3A_373 = arith.remsi %get3A_355, %jit3A_356 : i32
    %ne3A_374 = arith.constant 0 : i32
    %ne3A_375 = arith.cmpi ne, %rem3A_373, %ne3A_374 : i32
    %and3A_376 = arith.andi %ne3A_372, %ne3A_375 : i1
    %sub3A_377 = arith.constant 1 : i32
    %sub3A_378 = arith.subi %div3A_357, %sub3A_377 : i32
    %select_n3A_379 = arith.select %and3A_376, %sub3A_378, %div3A_357 : i32
    %mul3A_380 = arith.constant 128 : i32
    %mul3A_381 = arith.muli %select_n3A_379, %mul3A_380 : i32
    %get3A_382 = arith.constant 224 : index
    %get3A_383 = memref.load %arg0[%get3A_382] : memref<256xi32, #tpu.memory_space<smem>>
    %jit3A_384 = arith.constant 128 : i32
    %div3A_385 = arith.divsi %get3A_383, %jit3A_384 : i32
    %sign3A_386 = arith.constant 0 : i32
    %sign3A_387 = arith.cmpi sgt, %get3A_383, %sign3A_386 : i32
    %sign3A_388 = arith.extui %sign3A_387 : i1 to i32
    %sign3A_389 = arith.constant 0 : i32
    %sign3A_390 = arith.cmpi slt, %get3A_383, %sign3A_389 : i32
    %sign3A_391 = arith.extui %sign3A_390 : i1 to i32
    %sign3A_392 = arith.subi %sign3A_388, %sign3A_391 : i32
    %sign3A_393 = arith.constant 0 : i32
    %sign3A_394 = arith.cmpi sgt, %jit3A_384, %sign3A_393 : i32
    %sign3A_395 = arith.extui %sign3A_394 : i1 to i32
    %sign3A_396 = arith.constant 0 : i32
    %sign3A_397 = arith.cmpi slt, %jit3A_384, %sign3A_396 : i32
    %sign3A_398 = arith.extui %sign3A_397 : i1 to i32
    %sign3A_399 = arith.subi %sign3A_395, %sign3A_398 : i32
    %ne3A_400 = arith.cmpi ne, %sign3A_392, %sign3A_399 : i32
    %rem3A_401 = arith.remsi %get3A_383, %jit3A_384 : i32
    %ne3A_402 = arith.constant 0 : i32
    %ne3A_403 = arith.cmpi ne, %rem3A_401, %ne3A_402 : i32
    %and3A_404 = arith.andi %ne3A_400, %ne3A_403 : i1
    %sub3A_405 = arith.constant 1 : i32
    %sub3A_406 = arith.subi %div3A_385, %sub3A_405 : i32
    %select_n3A_407 = arith.select %and3A_404, %sub3A_406, %div3A_385 : i32
    %mul3A_408 = arith.constant 128 : i32
    %mul3A_409 = arith.muli %select_n3A_407, %mul3A_408 : i32
    %get3A_410 = arith.constant 240 : index
    %get3A_411 = memref.load %arg0[%get3A_410] : memref<256xi32, #tpu.memory_space<smem>>
    %jit3A_412 = arith.constant 128 : i32
    %div3A_413 = arith.divsi %get3A_411, %jit3A_412 : i32
    %sign3A_414 = arith.constant 0 : i32
    %sign3A_415 = arith.cmpi sgt, %get3A_411, %sign3A_414 : i32
    %sign3A_416 = arith.extui %sign3A_415 : i1 to i32
    %sign3A_417 = arith.constant 0 : i32
    %sign3A_418 = arith.cmpi slt, %get3A_411, %sign3A_417 : i32
    %sign3A_419 = arith.extui %sign3A_418 : i1 to i32
    %sign3A_420 = arith.subi %sign3A_416, %sign3A_419 : i32
    %sign3A_421 = arith.constant 0 : i32
    %sign3A_422 = arith.cmpi sgt, %jit3A_412, %sign3A_421 : i32
    %sign3A_423 = arith.extui %sign3A_422 : i1 to i32
    %sign3A_424 = arith.constant 0 : i32
    %sign3A_425 = arith.cmpi slt, %jit3A_412, %sign3A_424 : i32
    %sign3A_426 = arith.extui %sign3A_425 : i1 to i32
    %sign3A_427 = arith.subi %sign3A_423, %sign3A_426 : i32
    %ne3A_428 = arith.cmpi ne, %sign3A_420, %sign3A_427 : i32
    %rem3A_429 = arith.remsi %get3A_411, %jit3A_412 : i32
    %ne3A_430 = arith.constant 0 : i32
    %ne3A_431 = arith.cmpi ne, %rem3A_429, %ne3A_430 : i32
    %and3A_432 = arith.andi %ne3A_428, %ne3A_431 : i1
    %sub3A_433 = arith.constant 1 : i32
    %sub3A_434 = arith.subi %div3A_413, %sub3A_433 : i32
    %select_n3A_435 = arith.select %and3A_432, %sub3A_434, %div3A_413 : i32
    %mul3A_436 = arith.constant 128 : i32
    %mul3A_437 = arith.muli %select_n3A_435, %mul3A_436 : i32
    %dma_start3A = arith.constant 0 : i32
    %dma_start3A_438 = arith.constant 0 : i32
    %dma_start3A_439 = arith.constant 0 : i32
    %dma_start3A_440 = arith.constant 0 : i32
    %dma_start3A_441 = tpu.memref_slice %arg6[%dma_start3A_438, %dma_start3A, %dma_start3A_439, %dma_start3A_440] : memref<6x16x8x128xf32, #tpu.memory_space<vmem>> -> memref<6x1x8x128xf32, #tpu.memory_space<vmem>>
    %dma_start3A_442 = tpu.memref_squeeze %dma_start3A_441 : memref<6x1x8x128xf32, #tpu.memory_space<vmem>> -> memref<6x8x128xf32, #tpu.memory_space<vmem>>
    %dma_start3A_443 = arith.constant 0 : i32
    %dma_start3A_444 = arith.constant 0 : i32
    %dma_start3A_445 = tpu.memref_slice %arg2[%dma_start3A_443, %dma_start3A_444, %mul3A_17] : memref<6x16x20000xf32, #tpu.memory_space<any>> -> memref<6x8x128xf32, #tpu.memory_space<any>>
    tpu.enqueue_dma source(%dma_start3A_445 : memref<6x8x128xf32, #tpu.memory_space<any>>) target(%dma_start3A_442 : memref<6x8x128xf32, #tpu.memory_space<vmem>>) target_semaphore(%arg8 : memref<!tpu.dma_semaphore, #tpu.memory_space<semaphore_mem>>)
    %dma_start3A_446 = arith.constant 0 : i32
    %dma_start3A_447 = arith.constant 0 : i32
    %dma_start3A_448 = arith.constant 0 : i32
    %dma_start3A_449 = arith.constant 0 : i32
    %dma_start3A_450 = tpu.memref_slice %arg7[%dma_start3A_447, %dma_start3A_446, %dma_start3A_448, %dma_start3A_449] : memref<6x16x8x128xf32, #tpu.memory_space<vmem>> -> memref<6x1x8x128xf32, #tpu.memory_space<vmem>>
    %dma_start3A_451 = tpu.memref_squeeze %dma_start3A_450 : memref<6x1x8x128xf32, #tpu.memory_space<vmem>> -> memref<6x8x128xf32, #tpu.memory_space<vmem>>
    %dma_start3A_452 = arith.constant 0 : i32
    %dma_start3A_453 = arith.constant 0 : i32
    %dma_start3A_454 = tpu.memref_slice %arg3[%dma_start3A_452, %dma_start3A_453, %mul3A_17] : memref<6x16x20000xf32, #tpu.memory_space<any>> -> memref<6x8x128xf32, #tpu.memory_space<any>>
    tpu.enqueue_dma source(%dma_start3A_454 : memref<6x8x128xf32, #tpu.memory_space<any>>) target(%dma_start3A_451 : memref<6x8x128xf32, #tpu.memory_space<vmem>>) target_semaphore(%arg9 : memref<!tpu.dma_semaphore, #tpu.memory_space<semaphore_mem>>)
    %dma_start3A_455 = arith.constant 1 : i32
    %dma_start3A_456 = arith.constant 0 : i32
    %dma_start3A_457 = arith.constant 0 : i32
    %dma_start3A_458 = arith.constant 0 : i32
    %dma_start3A_459 = tpu.memref_slice %arg6[%dma_start3A_456, %dma_start3A_455, %dma_start3A_457, %dma_start3A_458] : memref<6x16x8x128xf32, #tpu.memory_space<vmem>> -> memref<6x1x8x128xf32, #tpu.memory_space<vmem>>
    %dma_start3A_460 = tpu.memref_squeeze %dma_start3A_459 : memref<6x1x8x128xf32, #tpu.memory_space<vmem>> -> memref<6x8x128xf32, #tpu.memory_space<vmem>>
    %dma_start3A_461 = arith.constant 0 : i32
    %dma_start3A_462 = arith.constant 0 : i32
    %dma_start3A_463 = tpu.memref_slice %arg2[%dma_start3A_461, %dma_start3A_462, %mul3A_45] : memref<6x16x20000xf32, #tpu.memory_space<any>> -> memref<6x8x128xf32, #tpu.memory_space<any>>
    tpu.enqueue_dma source(%dma_start3A_463 : memref<6x8x128xf32, #tpu.memory_space<any>>) target(%dma_start3A_460 : memref<6x8x128xf32, #tpu.memory_space<vmem>>) target_semaphore(%arg8 : memref<!tpu.dma_semaphore, #tpu.memory_space<semaphore_mem>>)
    %dma_start3A_464 = arith.constant 1 : i32
    %dma_start3A_465 = arith.constant 0 : i32
    %dma_start3A_466 = arith.constant 0 : i32
    %dma_start3A_467 = arith.constant 0 : i32
    %dma_start3A_468 = tpu.memref_slice %arg7[%dma_start3A_465, %dma_start3A_464, %dma_start3A_466, %dma_start3A_467] : memref<6x16x8x128xf32, #tpu.memory_space<vmem>> -> memref<6x1x8x128xf32, #tpu.memory_space<vmem>>
    %dma_start3A_469 = tpu.memref_squeeze %dma_start3A_468 : memref<6x1x8x128xf32, #tpu.memory_space<vmem>> -> memref<6x8x128xf32, #tpu.memory_space<vmem>>
    %dma_start3A_470 = arith.constant 0 : i32
    %dma_start3A_471 = arith.constant 0 : i32
    %dma_start3A_472 = tpu.memref_slice %arg3[%dma_start3A_470, %dma_start3A_471, %mul3A_45] : memref<6x16x20000xf32, #tpu.memory_space<any>> -> memref<6x8x128xf32, #tpu.memory_space<any>>
    tpu.enqueue_dma source(%dma_start3A_472 : memref<6x8x128xf32, #tpu.memory_space<any>>) target(%dma_start3A_469 : memref<6x8x128xf32, #tpu.memory_space<vmem>>) target_semaphore(%arg9 : memref<!tpu.dma_semaphore, #tpu.memory_space<semaphore_mem>>)
    %dma_start3A_473 = arith.constant 2 : i32
    %dma_start3A_474 = arith.constant 0 : i32
    %dma_start3A_475 = arith.constant 0 : i32
    %dma_start3A_476 = arith.constant 0 : i32
    %dma_start3A_477 = tpu.memref_slice %arg6[%dma_start3A_474, %dma_start3A_473, %dma_start3A_475, %dma_start3A_476] : memref<6x16x8x128xf32, #tpu.memory_space<vmem>> -> memref<6x1x8x128xf32, #tpu.memory_space<vmem>>
    %dma_start3A_478 = tpu.memref_squeeze %dma_start3A_477 : memref<6x1x8x128xf32, #tpu.memory_space<vmem>> -> memref<6x8x128xf32, #tpu.memory_space<vmem>>
    %dma_start3A_479 = arith.constant 0 : i32
    %dma_start3A_480 = arith.constant 0 : i32
    %dma_start3A_481 = tpu.memref_slice %arg2[%dma_start3A_479, %dma_start3A_480, %mul3A_73] : memref<6x16x20000xf32, #tpu.memory_space<any>> -> memref<6x8x128xf32, #tpu.memory_space<any>>
    tpu.enqueue_dma source(%dma_start3A_481 : memref<6x8x128xf32, #tpu.memory_space<any>>) target(%dma_start3A_478 : memref<6x8x128xf32, #tpu.memory_space<vmem>>) target_semaphore(%arg8 : memref<!tpu.dma_semaphore, #tpu.memory_space<semaphore_mem>>)
    %dma_start3A_482 = arith.constant 2 : i32
    %dma_start3A_483 = arith.constant 0 : i32
    %dma_start3A_484 = arith.constant 0 : i32
    %dma_start3A_485 = arith.constant 0 : i32
    %dma_start3A_486 = tpu.memref_slice %arg7[%dma_start3A_483, %dma_start3A_482, %dma_start3A_484, %dma_start3A_485] : memref<6x16x8x128xf32, #tpu.memory_space<vmem>> -> memref<6x1x8x128xf32, #tpu.memory_space<vmem>>
    %dma_start3A_487 = tpu.memref_squeeze %dma_start3A_486 : memref<6x1x8x128xf32, #tpu.memory_space<vmem>> -> memref<6x8x128xf32, #tpu.memory_space<vmem>>
    %dma_start3A_488 = arith.constant 0 : i32
    %dma_start3A_489 = arith.constant 0 : i32
    %dma_start3A_490 = tpu.memref_slice %arg3[%dma_start3A_488, %dma_start3A_489, %mul3A_73] : memref<6x16x20000xf32, #tpu.memory_space<any>> -> memref<6x8x128xf32, #tpu.memory_space<any>>
    tpu.enqueue_dma source(%dma_start3A_490 : memref<6x8x128xf32, #tpu.memory_space<any>>) target(%dma_start3A_487 : memref<6x8x128xf32, #tpu.memory_space<vmem>>) target_semaphore(%arg9 : memref<!tpu.dma_semaphore, #tpu.memory_space<semaphore_mem>>)
    %dma_start3A_491 = arith.constant 3 : i32
    %dma_start3A_492 = arith.constant 0 : i32
    %dma_start3A_493 = arith.constant 0 : i32
    %dma_start3A_494 = arith.constant 0 : i32
    %dma_start3A_495 = tpu.memref_slice %arg6[%dma_start3A_492, %dma_start3A_491, %dma_start3A_493, %dma_start3A_494] : memref<6x16x8x128xf32, #tpu.memory_space<vmem>> -> memref<6x1x8x128xf32, #tpu.memory_space<vmem>>
    %dma_start3A_496 = tpu.memref_squeeze %dma_start3A_495 : memref<6x1x8x128xf32, #tpu.memory_space<vmem>> -> memref<6x8x128xf32, #tpu.memory_space<vmem>>
    %dma_start3A_497 = arith.constant 0 : i32
    %dma_start3A_498 = arith.constant 0 : i32
    %dma_start3A_499 = tpu.memref_slice %arg2[%dma_start3A_497, %dma_start3A_498, %mul3A_101] : memref<6x16x20000xf32, #tpu.memory_space<any>> -> memref<6x8x128xf32, #tpu.memory_space<any>>
    tpu.enqueue_dma source(%dma_start3A_499 : memref<6x8x128xf32, #tpu.memory_space<any>>) target(%dma_start3A_496 : memref<6x8x128xf32, #tpu.memory_space<vmem>>) target_semaphore(%arg8 : memref<!tpu.dma_semaphore, #tpu.memory_space<semaphore_mem>>)
    %dma_start3A_500 = arith.constant 3 : i32
    %dma_start3A_501 = arith.constant 0 : i32
    %dma_start3A_502 = arith.constant 0 : i32
    %dma_start3A_503 = arith.constant 0 : i32
    %dma_start3A_504 = tpu.memref_slice %arg7[%dma_start3A_501, %dma_start3A_500, %dma_start3A_502, %dma_start3A_503] : memref<6x16x8x128xf32, #tpu.memory_space<vmem>> -> memref<6x1x8x128xf32, #tpu.memory_space<vmem>>
    %dma_start3A_505 = tpu.memref_squeeze %dma_start3A_504 : memref<6x1x8x128xf32, #tpu.memory_space<vmem>> -> memref<6x8x128xf32, #tpu.memory_space<vmem>>
    %dma_start3A_506 = arith.constant 0 : i32
    %dma_start3A_507 = arith.constant 0 : i32
    %dma_start3A_508 = tpu.memref_slice %arg3[%dma_start3A_506, %dma_start3A_507, %mul3A_101] : memref<6x16x20000xf32, #tpu.memory_space<any>> -> memref<6x8x128xf32, #tpu.memory_space<any>>
    tpu.enqueue_dma source(%dma_start3A_508 : memref<6x8x128xf32, #tpu.memory_space<any>>) target(%dma_start3A_505 : memref<6x8x128xf32, #tpu.memory_space<vmem>>) target_semaphore(%arg9 : memref<!tpu.dma_semaphore, #tpu.memory_space<semaphore_mem>>)
    %dma_start3A_509 = arith.constant 4 : i32
    %dma_start3A_510 = arith.constant 0 : i32
    %dma_start3A_511 = arith.constant 0 : i32
    %dma_start3A_512 = arith.constant 0 : i32
    %dma_start3A_513 = tpu.memref_slice %arg6[%dma_start3A_510, %dma_start3A_509, %dma_start3A_511, %dma_start3A_512] : memref<6x16x8x128xf32, #tpu.memory_space<vmem>> -> memref<6x1x8x128xf32, #tpu.memory_space<vmem>>
    %dma_start3A_514 = tpu.memref_squeeze %dma_start3A_513 : memref<6x1x8x128xf32, #tpu.memory_space<vmem>> -> memref<6x8x128xf32, #tpu.memory_space<vmem>>
    %dma_start3A_515 = arith.constant 0 : i32
    %dma_start3A_516 = arith.constant 0 : i32
    %dma_start3A_517 = tpu.memref_slice %arg2[%dma_start3A_515, %dma_start3A_516, %mul3A_129] : memref<6x16x20000xf32, #tpu.memory_space<any>> -> memref<6x8x128xf32, #tpu.memory_space<any>>
    tpu.enqueue_dma source(%dma_start3A_517 : memref<6x8x128xf32, #tpu.memory_space<any>>) target(%dma_start3A_514 : memref<6x8x128xf32, #tpu.memory_space<vmem>>) target_semaphore(%arg8 : memref<!tpu.dma_semaphore, #tpu.memory_space<semaphore_mem>>)
    %dma_start3A_518 = arith.constant 4 : i32
    %dma_start3A_519 = arith.constant 0 : i32
    %dma_start3A_520 = arith.constant 0 : i32
    %dma_start3A_521 = arith.constant 0 : i32
    %dma_start3A_522 = tpu.memref_slice %arg7[%dma_start3A_519, %dma_start3A_518, %dma_start3A_520, %dma_start3A_521] : memref<6x16x8x128xf32, #tpu.memory_space<vmem>> -> memref<6x1x8x128xf32, #tpu.memory_space<vmem>>
    %dma_start3A_523 = tpu.memref_squeeze %dma_start3A_522 : memref<6x1x8x128xf32, #tpu.memory_space<vmem>> -> memref<6x8x128xf32, #tpu.memory_space<vmem>>
    %dma_start3A_524 = arith.constant 0 : i32
    %dma_start3A_525 = arith.constant 0 : i32
    %dma_start3A_526 = tpu.memref_slice %arg3[%dma_start3A_524, %dma_start3A_525, %mul3A_129] : memref<6x16x20000xf32, #tpu.memory_space<any>> -> memref<6x8x128xf32, #tpu.memory_space<any>>
    tpu.enqueue_dma source(%dma_start3A_526 : memref<6x8x128xf32, #tpu.memory_space<any>>) target(%dma_start3A_523 : memref<6x8x128xf32, #tpu.memory_space<vmem>>) target_semaphore(%arg9 : memref<!tpu.dma_semaphore, #tpu.memory_space<semaphore_mem>>)
    %dma_start3A_527 = arith.constant 5 : i32
    %dma_start3A_528 = arith.constant 0 : i32
    %dma_start3A_529 = arith.constant 0 : i32
    %dma_start3A_530 = arith.constant 0 : i32
    %dma_start3A_531 = tpu.memref_slice %arg6[%dma_start3A_528, %dma_start3A_527, %dma_start3A_529, %dma_start3A_530] : memref<6x16x8x128xf32, #tpu.memory_space<vmem>> -> memref<6x1x8x128xf32, #tpu.memory_space<vmem>>
    %dma_start3A_532 = tpu.memref_squeeze %dma_start3A_531 : memref<6x1x8x128xf32, #tpu.memory_space<vmem>> -> memref<6x8x128xf32, #tpu.memory_space<vmem>>
    %dma_start3A_533 = arith.constant 0 : i32
    %dma_start3A_534 = arith.constant 0 : i32
    %dma_start3A_535 = tpu.memref_slice %arg2[%dma_start3A_533, %dma_start3A_534, %mul3A_157] : memref<6x16x20000xf32, #tpu.memory_space<any>> -> memref<6x8x128xf32, #tpu.memory_space<any>>
    tpu.enqueue_dma source(%dma_start3A_535 : memref<6x8x128xf32, #tpu.memory_space<any>>) target(%dma_start3A_532 : memref<6x8x128xf32, #tpu.memory_space<vmem>>) target_semaphore(%arg8 : memref<!tpu.dma_semaphore, #tpu.memory_space<semaphore_mem>>)
    %dma_start3A_536 = arith.constant 5 : i32
    %dma_start3A_537 = arith.constant 0 : i32
    %dma_start3A_538 = arith.constant 0 : i32
    %dma_start3A_539 = arith.constant 0 : i32
    %dma_start3A_540 = tpu.memref_slice %arg7[%dma_start3A_537, %dma_start3A_536, %dma_start3A_538, %dma_start3A_539] : memref<6x16x8x128xf32, #tpu.memory_space<vmem>> -> memref<6x1x8x128xf32, #tpu.memory_space<vmem>>
    %dma_start3A_541 = tpu.memref_squeeze %dma_start3A_540 : memref<6x1x8x128xf32, #tpu.memory_space<vmem>> -> memref<6x8x128xf32, #tpu.memory_space<vmem>>
    %dma_start3A_542 = arith.constant 0 : i32
    %dma_start3A_543 = arith.constant 0 : i32
    %dma_start3A_544 = tpu.memref_slice %arg3[%dma_start3A_542, %dma_start3A_543, %mul3A_157] : memref<6x16x20000xf32, #tpu.memory_space<any>> -> memref<6x8x128xf32, #tpu.memory_space<any>>
    tpu.enqueue_dma source(%dma_start3A_544 : memref<6x8x128xf32, #tpu.memory_space<any>>) target(%dma_start3A_541 : memref<6x8x128xf32, #tpu.memory_space<vmem>>) target_semaphore(%arg9 : memref<!tpu.dma_semaphore, #tpu.memory_space<semaphore_mem>>)
    %dma_start3A_545 = arith.constant 6 : i32
    %dma_start3A_546 = arith.constant 0 : i32
    %dma_start3A_547 = arith.constant 0 : i32
    %dma_start3A_548 = arith.constant 0 : i32
    %dma_start3A_549 = tpu.memref_slice %arg6[%dma_start3A_546, %dma_start3A_545, %dma_start3A_547, %dma_start3A_548] : memref<6x16x8x128xf32, #tpu.memory_space<vmem>> -> memref<6x1x8x128xf32, #tpu.memory_space<vmem>>
    %dma_start3A_550 = tpu.memref_squeeze %dma_start3A_549 : memref<6x1x8x128xf32, #tpu.memory_space<vmem>> -> memref<6x8x128xf32, #tpu.memory_space<vmem>>
    %dma_start3A_551 = arith.constant 0 : i32
    %dma_start3A_552 = arith.constant 0 : i32
    %dma_start3A_553 = tpu.memref_slice %arg2[%dma_start3A_551, %dma_start3A_552, %mul3A_185] : memref<6x16x20000xf32, #tpu.memory_space<any>> -> memref<6x8x128xf32, #tpu.memory_space<any>>
    tpu.enqueue_dma source(%dma_start3A_553 : memref<6x8x128xf32, #tpu.memory_space<any>>) target(%dma_start3A_550 : memref<6x8x128xf32, #tpu.memory_space<vmem>>) target_semaphore(%arg8 : memref<!tpu.dma_semaphore, #tpu.memory_space<semaphore_mem>>)
    %dma_start3A_554 = arith.constant 6 : i32
    %dma_start3A_555 = arith.constant 0 : i32
    %dma_start3A_556 = arith.constant 0 : i32
    %dma_start3A_557 = arith.constant 0 : i32
    %dma_start3A_558 = tpu.memref_slice %arg7[%dma_start3A_555, %dma_start3A_554, %dma_start3A_556, %dma_start3A_557] : memref<6x16x8x128xf32, #tpu.memory_space<vmem>> -> memref<6x1x8x128xf32, #tpu.memory_space<vmem>>
    %dma_start3A_559 = tpu.memref_squeeze %dma_start3A_558 : memref<6x1x8x128xf32, #tpu.memory_space<vmem>> -> memref<6x8x128xf32, #tpu.memory_space<vmem>>
    %dma_start3A_560 = arith.constant 0 : i32
    %dma_start3A_561 = arith.constant 0 : i32
    %dma_start3A_562 = tpu.memref_slice %arg3[%dma_start3A_560, %dma_start3A_561, %mul3A_185] : memref<6x16x20000xf32, #tpu.memory_space<any>> -> memref<6x8x128xf32, #tpu.memory_space<any>>
    tpu.enqueue_dma source(%dma_start3A_562 : memref<6x8x128xf32, #tpu.memory_space<any>>) target(%dma_start3A_559 : memref<6x8x128xf32, #tpu.memory_space<vmem>>) target_semaphore(%arg9 : memref<!tpu.dma_semaphore, #tpu.memory_space<semaphore_mem>>)
    %dma_start3A_563 = arith.constant 7 : i32
    %dma_start3A_564 = arith.constant 0 : i32
    %dma_start3A_565 = arith.constant 0 : i32
    %dma_start3A_566 = arith.constant 0 : i32
    %dma_start3A_567 = tpu.memref_slice %arg6[%dma_start3A_564, %dma_start3A_563, %dma_start3A_565, %dma_start3A_566] : memref<6x16x8x128xf32, #tpu.memory_space<vmem>> -> memref<6x1x8x128xf32, #tpu.memory_space<vmem>>
    %dma_start3A_568 = tpu.memref_squeeze %dma_start3A_567 : memref<6x1x8x128xf32, #tpu.memory_space<vmem>> -> memref<6x8x128xf32, #tpu.memory_space<vmem>>
    %dma_start3A_569 = arith.constant 0 : i32
    %dma_start3A_570 = arith.constant 0 : i32
    %dma_start3A_571 = tpu.memref_slice %arg2[%dma_start3A_569, %dma_start3A_570, %mul3A_213] : memref<6x16x20000xf32, #tpu.memory_space<any>> -> memref<6x8x128xf32, #tpu.memory_space<any>>
    tpu.enqueue_dma source(%dma_start3A_571 : memref<6x8x128xf32, #tpu.memory_space<any>>) target(%dma_start3A_568 : memref<6x8x128xf32, #tpu.memory_space<vmem>>) target_semaphore(%arg8 : memref<!tpu.dma_semaphore, #tpu.memory_space<semaphore_mem>>)
    %dma_start3A_572 = arith.constant 7 : i32
    %dma_start3A_573 = arith.constant 0 : i32
    %dma_start3A_574 = arith.constant 0 : i32
    %dma_start3A_575 = arith.constant 0 : i32
    %dma_start3A_576 = tpu.memref_slice %arg7[%dma_start3A_573, %dma_start3A_572, %dma_start3A_574, %dma_start3A_575] : memref<6x16x8x128xf32, #tpu.memory_space<vmem>> -> memref<6x1x8x128xf32, #tpu.memory_space<vmem>>
    %dma_start3A_577 = tpu.memref_squeeze %dma_start3A_576 : memref<6x1x8x128xf32, #tpu.memory_space<vmem>> -> memref<6x8x128xf32, #tpu.memory_space<vmem>>
    %dma_start3A_578 = arith.constant 0 : i32
    %dma_start3A_579 = arith.constant 0 : i32
    %dma_start3A_580 = tpu.memref_slice %arg3[%dma_start3A_578, %dma_start3A_579, %mul3A_213] : memref<6x16x20000xf32, #tpu.memory_space<any>> -> memref<6x8x128xf32, #tpu.memory_space<any>>
    tpu.enqueue_dma source(%dma_start3A_580 : memref<6x8x128xf32, #tpu.memory_space<any>>) target(%dma_start3A_577 : memref<6x8x128xf32, #tpu.memory_space<vmem>>) target_semaphore(%arg9 : memref<!tpu.dma_semaphore, #tpu.memory_space<semaphore_mem>>)
    %dma_start3A_581 = arith.constant 8 : i32
    %dma_start3A_582 = arith.constant 0 : i32
    %dma_start3A_583 = arith.constant 0 : i32
    %dma_start3A_584 = arith.constant 0 : i32
    %dma_start3A_585 = tpu.memref_slice %arg6[%dma_start3A_582, %dma_start3A_581, %dma_start3A_583, %dma_start3A_584] : memref<6x16x8x128xf32, #tpu.memory_space<vmem>> -> memref<6x1x8x128xf32, #tpu.memory_space<vmem>>
    %dma_start3A_586 = tpu.memref_squeeze %dma_start3A_585 : memref<6x1x8x128xf32, #tpu.memory_space<vmem>> -> memref<6x8x128xf32, #tpu.memory_space<vmem>>
    %dma_start3A_587 = arith.constant 0 : i32
    %dma_start3A_588 = arith.constant 8 : i32
    %dma_start3A_589 = tpu.memref_slice %arg2[%dma_start3A_587, %dma_start3A_588, %mul3A_241] : memref<6x16x20000xf32, #tpu.memory_space<any>> -> memref<6x8x128xf32, #tpu.memory_space<any>>
    tpu.enqueue_dma source(%dma_start3A_589 : memref<6x8x128xf32, #tpu.memory_space<any>>) target(%dma_start3A_586 : memref<6x8x128xf32, #tpu.memory_space<vmem>>) target_semaphore(%arg8 : memref<!tpu.dma_semaphore, #tpu.memory_space<semaphore_mem>>)
    %dma_start3A_590 = arith.constant 8 : i32
    %dma_start3A_591 = arith.constant 0 : i32
    %dma_start3A_592 = arith.constant 0 : i32
    %dma_start3A_593 = arith.constant 0 : i32
    %dma_start3A_594 = tpu.memref_slice %arg7[%dma_start3A_591, %dma_start3A_590, %dma_start3A_592, %dma_start3A_593] : memref<6x16x8x128xf32, #tpu.memory_space<vmem>> -> memref<6x1x8x128xf32, #tpu.memory_space<vmem>>
    %dma_start3A_595 = tpu.memref_squeeze %dma_start3A_594 : memref<6x1x8x128xf32, #tpu.memory_space<vmem>> -> memref<6x8x128xf32, #tpu.memory_space<vmem>>
    %dma_start3A_596 = arith.constant 0 : i32
    %dma_start3A_597 = arith.constant 8 : i32
    %dma_start3A_598 = tpu.memref_slice %arg3[%dma_start3A_596, %dma_start3A_597, %mul3A_241] : memref<6x16x20000xf32, #tpu.memory_space<any>> -> memref<6x8x128xf32, #tpu.memory_space<any>>
    tpu.enqueue_dma source(%dma_start3A_598 : memref<6x8x128xf32, #tpu.memory_space<any>>) target(%dma_start3A_595 : memref<6x8x128xf32, #tpu.memory_space<vmem>>) target_semaphore(%arg9 : memref<!tpu.dma_semaphore, #tpu.memory_space<semaphore_mem>>)
    %dma_start3A_599 = arith.constant 9 : i32
    %dma_start3A_600 = arith.constant 0 : i32
    %dma_start3A_601 = arith.constant 0 : i32
    %dma_start3A_602 = arith.constant 0 : i32
    %dma_start3A_603 = tpu.memref_slice %arg6[%dma_start3A_600, %dma_start3A_599, %dma_start3A_601, %dma_start3A_602] : memref<6x16x8x128xf32, #tpu.memory_space<vmem>> -> memref<6x1x8x128xf32, #tpu.memory_space<vmem>>
    %dma_start3A_604 = tpu.memref_squeeze %dma_start3A_603 : memref<6x1x8x128xf32, #tpu.memory_space<vmem>> -> memref<6x8x128xf32, #tpu.memory_space<vmem>>
    %dma_start3A_605 = arith.constant 0 : i32
    %dma_start3A_606 = arith.constant 8 : i32
    %dma_start3A_607 = tpu.memref_slice %arg2[%dma_start3A_605, %dma_start3A_606, %mul3A_269] : memref<6x16x20000xf32, #tpu.memory_space<any>> -> memref<6x8x128xf32, #tpu.memory_space<any>>
    tpu.enqueue_dma source(%dma_start3A_607 : memref<6x8x128xf32, #tpu.memory_space<any>>) target(%dma_start3A_604 : memref<6x8x128xf32, #tpu.memory_space<vmem>>) target_semaphore(%arg8 : memref<!tpu.dma_semaphore, #tpu.memory_space<semaphore_mem>>)
    %dma_start3A_608 = arith.constant 9 : i32
    %dma_start3A_609 = arith.constant 0 : i32
    %dma_start3A_610 = arith.constant 0 : i32
    %dma_start3A_611 = arith.constant 0 : i32
    %dma_start3A_612 = tpu.memref_slice %arg7[%dma_start3A_609, %dma_start3A_608, %dma_start3A_610, %dma_start3A_611] : memref<6x16x8x128xf32, #tpu.memory_space<vmem>> -> memref<6x1x8x128xf32, #tpu.memory_space<vmem>>
    %dma_start3A_613 = tpu.memref_squeeze %dma_start3A_612 : memref<6x1x8x128xf32, #tpu.memory_space<vmem>> -> memref<6x8x128xf32, #tpu.memory_space<vmem>>
    %dma_start3A_614 = arith.constant 0 : i32
    %dma_start3A_615 = arith.constant 8 : i32
    %dma_start3A_616 = tpu.memref_slice %arg3[%dma_start3A_614, %dma_start3A_615, %mul3A_269] : memref<6x16x20000xf32, #tpu.memory_space<any>> -> memref<6x8x128xf32, #tpu.memory_space<any>>
    tpu.enqueue_dma source(%dma_start3A_616 : memref<6x8x128xf32, #tpu.memory_space<any>>) target(%dma_start3A_613 : memref<6x8x128xf32, #tpu.memory_space<vmem>>) target_semaphore(%arg9 : memref<!tpu.dma_semaphore, #tpu.memory_space<semaphore_mem>>)
    %dma_start3A_617 = arith.constant 10 : i32
    %dma_start3A_618 = arith.constant 0 : i32
    %dma_start3A_619 = arith.constant 0 : i32
    %dma_start3A_620 = arith.constant 0 : i32
    %dma_start3A_621 = tpu.memref_slice %arg6[%dma_start3A_618, %dma_start3A_617, %dma_start3A_619, %dma_start3A_620] : memref<6x16x8x128xf32, #tpu.memory_space<vmem>> -> memref<6x1x8x128xf32, #tpu.memory_space<vmem>>
    %dma_start3A_622 = tpu.memref_squeeze %dma_start3A_621 : memref<6x1x8x128xf32, #tpu.memory_space<vmem>> -> memref<6x8x128xf32, #tpu.memory_space<vmem>>
    %dma_start3A_623 = arith.constant 0 : i32
    %dma_start3A_624 = arith.constant 8 : i32
    %dma_start3A_625 = tpu.memref_slice %arg2[%dma_start3A_623, %dma_start3A_624, %mul3A_297] : memref<6x16x20000xf32, #tpu.memory_space<any>> -> memref<6x8x128xf32, #tpu.memory_space<any>>
    tpu.enqueue_dma source(%dma_start3A_625 : memref<6x8x128xf32, #tpu.memory_space<any>>) target(%dma_start3A_622 : memref<6x8x128xf32, #tpu.memory_space<vmem>>) target_semaphore(%arg8 : memref<!tpu.dma_semaphore, #tpu.memory_space<semaphore_mem>>)
    %dma_start3A_626 = arith.constant 10 : i32
    %dma_start3A_627 = arith.constant 0 : i32
    %dma_start3A_628 = arith.constant 0 : i32
    %dma_start3A_629 = arith.constant 0 : i32
    %dma_start3A_630 = tpu.memref_slice %arg7[%dma_start3A_627, %dma_start3A_626, %dma_start3A_628, %dma_start3A_629] : memref<6x16x8x128xf32, #tpu.memory_space<vmem>> -> memref<6x1x8x128xf32, #tpu.memory_space<vmem>>
    %dma_start3A_631 = tpu.memref_squeeze %dma_start3A_630 : memref<6x1x8x128xf32, #tpu.memory_space<vmem>> -> memref<6x8x128xf32, #tpu.memory_space<vmem>>
    %dma_start3A_632 = arith.constant 0 : i32
    %dma_start3A_633 = arith.constant 8 : i32
    %dma_start3A_634 = tpu.memref_slice %arg3[%dma_start3A_632, %dma_start3A_633, %mul3A_297] : memref<6x16x20000xf32, #tpu.memory_space<any>> -> memref<6x8x128xf32, #tpu.memory_space<any>>
    tpu.enqueue_dma source(%dma_start3A_634 : memref<6x8x128xf32, #tpu.memory_space<any>>) target(%dma_start3A_631 : memref<6x8x128xf32, #tpu.memory_space<vmem>>) target_semaphore(%arg9 : memref<!tpu.dma_semaphore, #tpu.memory_space<semaphore_mem>>)
    %dma_start3A_635 = arith.constant 11 : i32
    %dma_start3A_636 = arith.constant 0 : i32
    %dma_start3A_637 = arith.constant 0 : i32
    %dma_start3A_638 = arith.constant 0 : i32
    %dma_start3A_639 = tpu.memref_slice %arg6[%dma_start3A_636, %dma_start3A_635, %dma_start3A_637, %dma_start3A_638] : memref<6x16x8x128xf32, #tpu.memory_space<vmem>> -> memref<6x1x8x128xf32, #tpu.memory_space<vmem>>
    %dma_start3A_640 = tpu.memref_squeeze %dma_start3A_639 : memref<6x1x8x128xf32, #tpu.memory_space<vmem>> -> memref<6x8x128xf32, #tpu.memory_space<vmem>>
    %dma_start3A_641 = arith.constant 0 : i32
    %dma_start3A_642 = arith.constant 8 : i32
    %dma_start3A_643 = tpu.memref_slice %arg2[%dma_start3A_641, %dma_start3A_642, %mul3A_325] : memref<6x16x20000xf32, #tpu.memory_space<any>> -> memref<6x8x128xf32, #tpu.memory_space<any>>
    tpu.enqueue_dma source(%dma_start3A_643 : memref<6x8x128xf32, #tpu.memory_space<any>>) target(%dma_start3A_640 : memref<6x8x128xf32, #tpu.memory_space<vmem>>) target_semaphore(%arg8 : memref<!tpu.dma_semaphore, #tpu.memory_space<semaphore_mem>>)
    %dma_start3A_644 = arith.constant 11 : i32
    %dma_start3A_645 = arith.constant 0 : i32
    %dma_start3A_646 = arith.constant 0 : i32
    %dma_start3A_647 = arith.constant 0 : i32
    %dma_start3A_648 = tpu.memref_slice %arg7[%dma_start3A_645, %dma_start3A_644, %dma_start3A_646, %dma_start3A_647] : memref<6x16x8x128xf32, #tpu.memory_space<vmem>> -> memref<6x1x8x128xf32, #tpu.memory_space<vmem>>
    %dma_start3A_649 = tpu.memref_squeeze %dma_start3A_648 : memref<6x1x8x128xf32, #tpu.memory_space<vmem>> -> memref<6x8x128xf32, #tpu.memory_space<vmem>>
    %dma_start3A_650 = arith.constant 0 : i32
    %dma_start3A_651 = arith.constant 8 : i32
    %dma_start3A_652 = tpu.memref_slice %arg3[%dma_start3A_650, %dma_start3A_651, %mul3A_325] : memref<6x16x20000xf32, #tpu.memory_space<any>> -> memref<6x8x128xf32, #tpu.memory_space<any>>
    tpu.enqueue_dma source(%dma_start3A_652 : memref<6x8x128xf32, #tpu.memory_space<any>>) target(%dma_start3A_649 : memref<6x8x128xf32, #tpu.memory_space<vmem>>) target_semaphore(%arg9 : memref<!tpu.dma_semaphore, #tpu.memory_space<semaphore_mem>>)
    %dma_start3A_653 = arith.constant 12 : i32
    %dma_start3A_654 = arith.constant 0 : i32
    %dma_start3A_655 = arith.constant 0 : i32
    %dma_start3A_656 = arith.constant 0 : i32
    %dma_start3A_657 = tpu.memref_slice %arg6[%dma_start3A_654, %dma_start3A_653, %dma_start3A_655, %dma_start3A_656] : memref<6x16x8x128xf32, #tpu.memory_space<vmem>> -> memref<6x1x8x128xf32, #tpu.memory_space<vmem>>
    %dma_start3A_658 = tpu.memref_squeeze %dma_start3A_657 : memref<6x1x8x128xf32, #tpu.memory_space<vmem>> -> memref<6x8x128xf32, #tpu.memory_space<vmem>>
    %dma_start3A_659 = arith.constant 0 : i32
    %dma_start3A_660 = arith.constant 8 : i32
    %dma_start3A_661 = tpu.memref_slice %arg2[%dma_start3A_659, %dma_start3A_660, %mul3A_353] : memref<6x16x20000xf32, #tpu.memory_space<any>> -> memref<6x8x128xf32, #tpu.memory_space<any>>
    tpu.enqueue_dma source(%dma_start3A_661 : memref<6x8x128xf32, #tpu.memory_space<any>>) target(%dma_start3A_658 : memref<6x8x128xf32, #tpu.memory_space<vmem>>) target_semaphore(%arg8 : memref<!tpu.dma_semaphore, #tpu.memory_space<semaphore_mem>>)
    %dma_start3A_662 = arith.constant 12 : i32
    %dma_start3A_663 = arith.constant 0 : i32
    %dma_start3A_664 = arith.constant 0 : i32
    %dma_start3A_665 = arith.constant 0 : i32
    %dma_start3A_666 = tpu.memref_slice %arg7[%dma_start3A_663, %dma_start3A_662, %dma_start3A_664, %dma_start3A_665] : memref<6x16x8x128xf32, #tpu.memory_space<vmem>> -> memref<6x1x8x128xf32, #tpu.memory_space<vmem>>
    %dma_start3A_667 = tpu.memref_squeeze %dma_start3A_666 : memref<6x1x8x128xf32, #tpu.memory_space<vmem>> -> memref<6x8x128xf32, #tpu.memory_space<vmem>>
    %dma_start3A_668 = arith.constant 0 : i32
    %dma_start3A_669 = arith.constant 8 : i32
    %dma_start3A_670 = tpu.memref_slice %arg3[%dma_start3A_668, %dma_start3A_669, %mul3A_353] : memref<6x16x20000xf32, #tpu.memory_space<any>> -> memref<6x8x128xf32, #tpu.memory_space<any>>
    tpu.enqueue_dma source(%dma_start3A_670 : memref<6x8x128xf32, #tpu.memory_space<any>>) target(%dma_start3A_667 : memref<6x8x128xf32, #tpu.memory_space<vmem>>) target_semaphore(%arg9 : memref<!tpu.dma_semaphore, #tpu.memory_space<semaphore_mem>>)
    %dma_start3A_671 = arith.constant 13 : i32
    %dma_start3A_672 = arith.constant 0 : i32
    %dma_start3A_673 = arith.constant 0 : i32
    %dma_start3A_674 = arith.constant 0 : i32
    %dma_start3A_675 = tpu.memref_slice %arg6[%dma_start3A_672, %dma_start3A_671, %dma_start3A_673, %dma_start3A_674] : memref<6x16x8x128xf32, #tpu.memory_space<vmem>> -> memref<6x1x8x128xf32, #tpu.memory_space<vmem>>
    %dma_start3A_676 = tpu.memref_squeeze %dma_start3A_675 : memref<6x1x8x128xf32, #tpu.memory_space<vmem>> -> memref<6x8x128xf32, #tpu.memory_space<vmem>>
    %dma_start3A_677 = arith.constant 0 : i32
    %dma_start3A_678 = arith.constant 8 : i32
    %dma_start3A_679 = tpu.memref_slice %arg2[%dma_start3A_677, %dma_start3A_678, %mul3A_381] : memref<6x16x20000xf32, #tpu.memory_space<any>> -> memref<6x8x128xf32, #tpu.memory_space<any>>
    tpu.enqueue_dma source(%dma_start3A_679 : memref<6x8x128xf32, #tpu.memory_space<any>>) target(%dma_start3A_676 : memref<6x8x128xf32, #tpu.memory_space<vmem>>) target_semaphore(%arg8 : memref<!tpu.dma_semaphore, #tpu.memory_space<semaphore_mem>>)
    %dma_start3A_680 = arith.constant 13 : i32
    %dma_start3A_681 = arith.constant 0 : i32
    %dma_start3A_682 = arith.constant 0 : i32
    %dma_start3A_683 = arith.constant 0 : i32
    %dma_start3A_684 = tpu.memref_slice %arg7[%dma_start3A_681, %dma_start3A_680, %dma_start3A_682, %dma_start3A_683] : memref<6x16x8x128xf32, #tpu.memory_space<vmem>> -> memref<6x1x8x128xf32, #tpu.memory_space<vmem>>
    %dma_start3A_685 = tpu.memref_squeeze %dma_start3A_684 : memref<6x1x8x128xf32, #tpu.memory_space<vmem>> -> memref<6x8x128xf32, #tpu.memory_space<vmem>>
    %dma_start3A_686 = arith.constant 0 : i32
    %dma_start3A_687 = arith.constant 8 : i32
    %dma_start3A_688 = tpu.memref_slice %arg3[%dma_start3A_686, %dma_start3A_687, %mul3A_381] : memref<6x16x20000xf32, #tpu.memory_space<any>> -> memref<6x8x128xf32, #tpu.memory_space<any>>
    tpu.enqueue_dma source(%dma_start3A_688 : memref<6x8x128xf32, #tpu.memory_space<any>>) target(%dma_start3A_685 : memref<6x8x128xf32, #tpu.memory_space<vmem>>) target_semaphore(%arg9 : memref<!tpu.dma_semaphore, #tpu.memory_space<semaphore_mem>>)
    %dma_start3A_689 = arith.constant 14 : i32
    %dma_start3A_690 = arith.constant 0 : i32
    %dma_start3A_691 = arith.constant 0 : i32
    %dma_start3A_692 = arith.constant 0 : i32
    %dma_start3A_693 = tpu.memref_slice %arg6[%dma_start3A_690, %dma_start3A_689, %dma_start3A_691, %dma_start3A_692] : memref<6x16x8x128xf32, #tpu.memory_space<vmem>> -> memref<6x1x8x128xf32, #tpu.memory_space<vmem>>
    %dma_start3A_694 = tpu.memref_squeeze %dma_start3A_693 : memref<6x1x8x128xf32, #tpu.memory_space<vmem>> -> memref<6x8x128xf32, #tpu.memory_space<vmem>>
    %dma_start3A_695 = arith.constant 0 : i32
    %dma_start3A_696 = arith.constant 8 : i32
    %dma_start3A_697 = tpu.memref_slice %arg2[%dma_start3A_695, %dma_start3A_696, %mul3A_409] : memref<6x16x20000xf32, #tpu.memory_space<any>> -> memref<6x8x128xf32, #tpu.memory_space<any>>
    tpu.enqueue_dma source(%dma_start3A_697 : memref<6x8x128xf32, #tpu.memory_space<any>>) target(%dma_start3A_694 : memref<6x8x128xf32, #tpu.memory_space<vmem>>) target_semaphore(%arg8 : memref<!tpu.dma_semaphore, #tpu.memory_space<semaphore_mem>>)
    %dma_start3A_698 = arith.constant 14 : i32
    %dma_start3A_699 = arith.constant 0 : i32
    %dma_start3A_700 = arith.constant 0 : i32
    %dma_start3A_701 = arith.constant 0 : i32
    %dma_start3A_702 = tpu.memref_slice %arg7[%dma_start3A_699, %dma_start3A_698, %dma_start3A_700, %dma_start3A_701] : memref<6x16x8x128xf32, #tpu.memory_space<vmem>> -> memref<6x1x8x128xf32, #tpu.memory_space<vmem>>
    %dma_start3A_703 = tpu.memref_squeeze %dma_start3A_702 : memref<6x1x8x128xf32, #tpu.memory_space<vmem>> -> memref<6x8x128xf32, #tpu.memory_space<vmem>>
    %dma_start3A_704 = arith.constant 0 : i32
    %dma_start3A_705 = arith.constant 8 : i32
    %dma_start3A_706 = tpu.memref_slice %arg3[%dma_start3A_704, %dma_start3A_705, %mul3A_409] : memref<6x16x20000xf32, #tpu.memory_space<any>> -> memref<6x8x128xf32, #tpu.memory_space<any>>
    tpu.enqueue_dma source(%dma_start3A_706 : memref<6x8x128xf32, #tpu.memory_space<any>>) target(%dma_start3A_703 : memref<6x8x128xf32, #tpu.memory_space<vmem>>) target_semaphore(%arg9 : memref<!tpu.dma_semaphore, #tpu.memory_space<semaphore_mem>>)
    %dma_start3A_707 = arith.constant 15 : i32
    %dma_start3A_708 = arith.constant 0 : i32
    %dma_start3A_709 = arith.constant 0 : i32
    %dma_start3A_710 = arith.constant 0 : i32
    %dma_start3A_711 = tpu.memref_slice %arg6[%dma_start3A_708, %dma_start3A_707, %dma_start3A_709, %dma_start3A_710] : memref<6x16x8x128xf32, #tpu.memory_space<vmem>> -> memref<6x1x8x128xf32, #tpu.memory_space<vmem>>
    %dma_start3A_712 = tpu.memref_squeeze %dma_start3A_711 : memref<6x1x8x128xf32, #tpu.memory_space<vmem>> -> memref<6x8x128xf32, #tpu.memory_space<vmem>>
    %dma_start3A_713 = arith.constant 0 : i32
    %dma_start3A_714 = arith.constant 8 : i32
    %dma_start3A_715 = tpu.memref_slice %arg2[%dma_start3A_713, %dma_start3A_714, %mul3A_437] : memref<6x16x20000xf32, #tpu.memory_space<any>> -> memref<6x8x128xf32, #tpu.memory_space<any>>
    tpu.enqueue_dma source(%dma_start3A_715 : memref<6x8x128xf32, #tpu.memory_space<any>>) target(%dma_start3A_712 : memref<6x8x128xf32, #tpu.memory_space<vmem>>) target_semaphore(%arg8 : memref<!tpu.dma_semaphore, #tpu.memory_space<semaphore_mem>>)
    %dma_start3A_716 = arith.constant 15 : i32
    %dma_start3A_717 = arith.constant 0 : i32
    %dma_start3A_718 = arith.constant 0 : i32
    %dma_start3A_719 = arith.constant 0 : i32
    %dma_start3A_720 = tpu.memref_slice %arg7[%dma_start3A_717, %dma_start3A_716, %dma_start3A_718, %dma_start3A_719] : memref<6x16x8x128xf32, #tpu.memory_space<vmem>> -> memref<6x1x8x128xf32, #tpu.memory_space<vmem>>
    %dma_start3A_721 = tpu.memref_squeeze %dma_start3A_720 : memref<6x1x8x128xf32, #tpu.memory_space<vmem>> -> memref<6x8x128xf32, #tpu.memory_space<vmem>>
    %dma_start3A_722 = arith.constant 0 : i32
    %dma_start3A_723 = arith.constant 8 : i32
    %dma_start3A_724 = tpu.memref_slice %arg3[%dma_start3A_722, %dma_start3A_723, %mul3A_437] : memref<6x16x20000xf32, #tpu.memory_space<any>> -> memref<6x8x128xf32, #tpu.memory_space<any>>
    tpu.enqueue_dma source(%dma_start3A_724 : memref<6x8x128xf32, #tpu.memory_space<any>>) target(%dma_start3A_721 : memref<6x8x128xf32, #tpu.memory_space<vmem>>) target_semaphore(%arg9 : memref<!tpu.dma_semaphore, #tpu.memory_space<semaphore_mem>>)
    %iota3A = tpu.iota {dimensions = array<i32: 1>} : vector<1x16x1x1xi32>
    %broadcast_in_dim3A = arith.constant 0 : i32
    %broadcast_in_dim3A_725 = vector.broadcast %broadcast_in_dim3A : i32 to vector<1x16x1x1xi32>
    %iota3A_726 = tpu.iota {dimensions = array<i32: 1>} : vector<1x16xi32>
    %iota3A_727 = vector.shape_cast %iota3A_726 : vector<1x16xi32> to vector<16xi32>
    %broadcast_in_dim3A_728 = arith.constant 0.000000e+00 : f32
    %broadcast_in_dim3A_729 = vector.broadcast %broadcast_in_dim3A_728 : f32 to vector<16xf32>
    %eq3A = arith.constant 0 : i32
    %eq3A_730 = vector.broadcast %eq3A : i32 to vector<1x16x1x1xi32>
    %eq3A_731 = arith.cmpi eq, %iota3A, %eq3A_730 : vector<1x16x1x1xi32>
    %get3A_732 = arith.constant 0 : index
    %get3A_733 = memref.load %arg0[%get3A_732] : memref<256xi32, #tpu.memory_space<smem>>
    %jit3A_734 = arith.constant 128 : i32
    %eq3A_735 = arith.constant 0 : i32
    %eq3A_736 = arith.cmpi eq, %jit3A_734, %eq3A_735 : i32
    %jit3A_737 = arith.constant 1 : i32
    %select_n3A_738 = arith.select %eq3A_736, %jit3A_737, %jit3A_734 : i32
    %rem3A_739 = arith.remsi %get3A_733, %select_n3A_738 : i32
    %ne3A_740 = arith.constant 0 : i32
    %ne3A_741 = arith.cmpi ne, %rem3A_739, %ne3A_740 : i32
    %lt3A = arith.constant 0 : i32
    %lt3A_742 = arith.cmpi slt, %rem3A_739, %lt3A : i32
    %lt3A_743 = arith.constant 0 : i32
    %lt3A_744 = arith.cmpi slt, %select_n3A_738, %lt3A_743 : i32
    %ne3A_745 = arith.xori %lt3A_742, %lt3A_744 : i1
    %and3A_746 = arith.andi %ne3A_745, %ne3A_741 : i1
    %add3A = arith.addi %rem3A_739, %select_n3A_738 : i32
    %select_n3A_747 = arith.select %and3A_746, %add3A, %rem3A_739 : i32
    %broadcast_in_dim3A_748 = vector.broadcast %select_n3A_747 : i32 to vector<1x16x1x1xi32>
    %select_n3A_749 = arith.select %eq3A_731, %broadcast_in_dim3A_748, %broadcast_in_dim3A_725 : vector<1x16x1x1xi1>, vector<1x16x1x1xi32>
    %eq3A_750 = arith.constant 0 : i32
    %eq3A_751 = vector.broadcast %eq3A_750 : i32 to vector<16xi32>
    %eq3A_752 = arith.cmpi eq, %iota3A_727, %eq3A_751 : vector<16xi32>
    %get3A_753 = arith.constant 0 : index
    %get3A_754 = memref.load %arg1[%get3A_753] : memref<256xf32, #tpu.memory_space<smem>>
    %broadcast_in_dim3A_755 = vector.broadcast %get3A_754 : f32 to vector<16xf32>
    %select_n3A_756 = arith.select %eq3A_752, %broadcast_in_dim3A_755, %broadcast_in_dim3A_729 : vector<16xi1>, vector<16xf32>
    %eq3A_757 = arith.constant 1 : i32
    %eq3A_758 = vector.broadcast %eq3A_757 : i32 to vector<1x16x1x1xi32>
    %eq3A_759 = arith.cmpi eq, %iota3A, %eq3A_758 : vector<1x16x1x1xi32>
    %get3A_760 = arith.constant 16 : index
    %get3A_761 = memref.load %arg0[%get3A_760] : memref<256xi32, #tpu.memory_space<smem>>
    %jit3A_762 = arith.constant 128 : i32
    %eq3A_763 = arith.constant 0 : i32
    %eq3A_764 = arith.cmpi eq, %jit3A_762, %eq3A_763 : i32
    %jit3A_765 = arith.constant 1 : i32
    %select_n3A_766 = arith.select %eq3A_764, %jit3A_765, %jit3A_762 : i32
    %rem3A_767 = arith.remsi %get3A_761, %select_n3A_766 : i32
    %ne3A_768 = arith.constant 0 : i32
    %ne3A_769 = arith.cmpi ne, %rem3A_767, %ne3A_768 : i32
    %lt3A_770 = arith.constant 0 : i32
    %lt3A_771 = arith.cmpi slt, %rem3A_767, %lt3A_770 : i32
    %lt3A_772 = arith.constant 0 : i32
    %lt3A_773 = arith.cmpi slt, %select_n3A_766, %lt3A_772 : i32
    %ne3A_774 = arith.xori %lt3A_771, %lt3A_773 : i1
    %and3A_775 = arith.andi %ne3A_774, %ne3A_769 : i1
    %add3A_776 = arith.addi %rem3A_767, %select_n3A_766 : i32
    %select_n3A_777 = arith.select %and3A_775, %add3A_776, %rem3A_767 : i32
    %broadcast_in_dim3A_778 = vector.broadcast %select_n3A_777 : i32 to vector<1x16x1x1xi32>
    %select_n3A_779 = arith.select %eq3A_759, %broadcast_in_dim3A_778, %select_n3A_749 : vector<1x16x1x1xi1>, vector<1x16x1x1xi32>
    %eq3A_780 = arith.constant 1 : i32
    %eq3A_781 = vector.broadcast %eq3A_780 : i32 to vector<16xi32>
    %eq3A_782 = arith.cmpi eq, %iota3A_727, %eq3A_781 : vector<16xi32>
    %get3A_783 = arith.constant 16 : index
    %get3A_784 = memref.load %arg1[%get3A_783] : memref<256xf32, #tpu.memory_space<smem>>
    %broadcast_in_dim3A_785 = vector.broadcast %get3A_784 : f32 to vector<16xf32>
    %select_n3A_786 = arith.select %eq3A_782, %broadcast_in_dim3A_785, %select_n3A_756 : vector<16xi1>, vector<16xf32>
    %eq3A_787 = arith.constant 2 : i32
    %eq3A_788 = vector.broadcast %eq3A_787 : i32 to vector<1x16x1x1xi32>
    %eq3A_789 = arith.cmpi eq, %iota3A, %eq3A_788 : vector<1x16x1x1xi32>
    %get3A_790 = arith.constant 32 : index
    %get3A_791 = memref.load %arg0[%get3A_790] : memref<256xi32, #tpu.memory_space<smem>>
    %jit3A_792 = arith.constant 128 : i32
    %eq3A_793 = arith.constant 0 : i32
    %eq3A_794 = arith.cmpi eq, %jit3A_792, %eq3A_793 : i32
    %jit3A_795 = arith.constant 1 : i32
    %select_n3A_796 = arith.select %eq3A_794, %jit3A_795, %jit3A_792 : i32
    %rem3A_797 = arith.remsi %get3A_791, %select_n3A_796 : i32
    %ne3A_798 = arith.constant 0 : i32
    %ne3A_799 = arith.cmpi ne, %rem3A_797, %ne3A_798 : i32
    %lt3A_800 = arith.constant 0 : i32
    %lt3A_801 = arith.cmpi slt, %rem3A_797, %lt3A_800 : i32
    %lt3A_802 = arith.constant 0 : i32
    %lt3A_803 = arith.cmpi slt, %select_n3A_796, %lt3A_802 : i32
    %ne3A_804 = arith.xori %lt3A_801, %lt3A_803 : i1
    %and3A_805 = arith.andi %ne3A_804, %ne3A_799 : i1
    %add3A_806 = arith.addi %rem3A_797, %select_n3A_796 : i32
    %select_n3A_807 = arith.select %and3A_805, %add3A_806, %rem3A_797 : i32
    %broadcast_in_dim3A_808 = vector.broadcast %select_n3A_807 : i32 to vector<1x16x1x1xi32>
    %select_n3A_809 = arith.select %eq3A_789, %broadcast_in_dim3A_808, %select_n3A_779 : vector<1x16x1x1xi1>, vector<1x16x1x1xi32>
    %eq3A_810 = arith.constant 2 : i32
    %eq3A_811 = vector.broadcast %eq3A_810 : i32 to vector<16xi32>
    %eq3A_812 = arith.cmpi eq, %iota3A_727, %eq3A_811 : vector<16xi32>
    %get3A_813 = arith.constant 32 : index
    %get3A_814 = memref.load %arg1[%get3A_813] : memref<256xf32, #tpu.memory_space<smem>>
    %broadcast_in_dim3A_815 = vector.broadcast %get3A_814 : f32 to vector<16xf32>
    %select_n3A_816 = arith.select %eq3A_812, %broadcast_in_dim3A_815, %select_n3A_786 : vector<16xi1>, vector<16xf32>
    %eq3A_817 = arith.constant 3 : i32
    %eq3A_818 = vector.broadcast %eq3A_817 : i32 to vector<1x16x1x1xi32>
    %eq3A_819 = arith.cmpi eq, %iota3A, %eq3A_818 : vector<1x16x1x1xi32>
    %get3A_820 = arith.constant 48 : index
    %get3A_821 = memref.load %arg0[%get3A_820] : memref<256xi32, #tpu.memory_space<smem>>
    %jit3A_822 = arith.constant 128 : i32
    %eq3A_823 = arith.constant 0 : i32
    %eq3A_824 = arith.cmpi eq, %jit3A_822, %eq3A_823 : i32
    %jit3A_825 = arith.constant 1 : i32
    %select_n3A_826 = arith.select %eq3A_824, %jit3A_825, %jit3A_822 : i32
    %rem3A_827 = arith.remsi %get3A_821, %select_n3A_826 : i32
    %ne3A_828 = arith.constant 0 : i32
    %ne3A_829 = arith.cmpi ne, %rem3A_827, %ne3A_828 : i32
    %lt3A_830 = arith.constant 0 : i32
    %lt3A_831 = arith.cmpi slt, %rem3A_827, %lt3A_830 : i32
    %lt3A_832 = arith.constant 0 : i32
    %lt3A_833 = arith.cmpi slt, %select_n3A_826, %lt3A_832 : i32
    %ne3A_834 = arith.xori %lt3A_831, %lt3A_833 : i1
    %and3A_835 = arith.andi %ne3A_834, %ne3A_829 : i1
    %add3A_836 = arith.addi %rem3A_827, %select_n3A_826 : i32
    %select_n3A_837 = arith.select %and3A_835, %add3A_836, %rem3A_827 : i32
    %broadcast_in_dim3A_838 = vector.broadcast %select_n3A_837 : i32 to vector<1x16x1x1xi32>
    %select_n3A_839 = arith.select %eq3A_819, %broadcast_in_dim3A_838, %select_n3A_809 : vector<1x16x1x1xi1>, vector<1x16x1x1xi32>
    %eq3A_840 = arith.constant 3 : i32
    %eq3A_841 = vector.broadcast %eq3A_840 : i32 to vector<16xi32>
    %eq3A_842 = arith.cmpi eq, %iota3A_727, %eq3A_841 : vector<16xi32>
    %get3A_843 = arith.constant 48 : index
    %get3A_844 = memref.load %arg1[%get3A_843] : memref<256xf32, #tpu.memory_space<smem>>
    %broadcast_in_dim3A_845 = vector.broadcast %get3A_844 : f32 to vector<16xf32>
    %select_n3A_846 = arith.select %eq3A_842, %broadcast_in_dim3A_845, %select_n3A_816 : vector<16xi1>, vector<16xf32>
    %eq3A_847 = arith.constant 4 : i32
    %eq3A_848 = vector.broadcast %eq3A_847 : i32 to vector<1x16x1x1xi32>
    %eq3A_849 = arith.cmpi eq, %iota3A, %eq3A_848 : vector<1x16x1x1xi32>
    %get3A_850 = arith.constant 64 : index
    %get3A_851 = memref.load %arg0[%get3A_850] : memref<256xi32, #tpu.memory_space<smem>>
    %jit3A_852 = arith.constant 128 : i32
    %eq3A_853 = arith.constant 0 : i32
    %eq3A_854 = arith.cmpi eq, %jit3A_852, %eq3A_853 : i32
    %jit3A_855 = arith.constant 1 : i32
    %select_n3A_856 = arith.select %eq3A_854, %jit3A_855, %jit3A_852 : i32
    %rem3A_857 = arith.remsi %get3A_851, %select_n3A_856 : i32
    %ne3A_858 = arith.constant 0 : i32
    %ne3A_859 = arith.cmpi ne, %rem3A_857, %ne3A_858 : i32
    %lt3A_860 = arith.constant 0 : i32
    %lt3A_861 = arith.cmpi slt, %rem3A_857, %lt3A_860 : i32
    %lt3A_862 = arith.constant 0 : i32
    %lt3A_863 = arith.cmpi slt, %select_n3A_856, %lt3A_862 : i32
    %ne3A_864 = arith.xori %lt3A_861, %lt3A_863 : i1
    %and3A_865 = arith.andi %ne3A_864, %ne3A_859 : i1
    %add3A_866 = arith.addi %rem3A_857, %select_n3A_856 : i32
    %select_n3A_867 = arith.select %and3A_865, %add3A_866, %rem3A_857 : i32
    %broadcast_in_dim3A_868 = vector.broadcast %select_n3A_867 : i32 to vector<1x16x1x1xi32>
    %select_n3A_869 = arith.select %eq3A_849, %broadcast_in_dim3A_868, %select_n3A_839 : vector<1x16x1x1xi1>, vector<1x16x1x1xi32>
    %eq3A_870 = arith.constant 4 : i32
    %eq3A_871 = vector.broadcast %eq3A_870 : i32 to vector<16xi32>
    %eq3A_872 = arith.cmpi eq, %iota3A_727, %eq3A_871 : vector<16xi32>
    %get3A_873 = arith.constant 64 : index
    %get3A_874 = memref.load %arg1[%get3A_873] : memref<256xf32, #tpu.memory_space<smem>>
    %broadcast_in_dim3A_875 = vector.broadcast %get3A_874 : f32 to vector<16xf32>
    %select_n3A_876 = arith.select %eq3A_872, %broadcast_in_dim3A_875, %select_n3A_846 : vector<16xi1>, vector<16xf32>
    %eq3A_877 = arith.constant 5 : i32
    %eq3A_878 = vector.broadcast %eq3A_877 : i32 to vector<1x16x1x1xi32>
    %eq3A_879 = arith.cmpi eq, %iota3A, %eq3A_878 : vector<1x16x1x1xi32>
    %get3A_880 = arith.constant 80 : index
    %get3A_881 = memref.load %arg0[%get3A_880] : memref<256xi32, #tpu.memory_space<smem>>
    %jit3A_882 = arith.constant 128 : i32
    %eq3A_883 = arith.constant 0 : i32
    %eq3A_884 = arith.cmpi eq, %jit3A_882, %eq3A_883 : i32
    %jit3A_885 = arith.constant 1 : i32
    %select_n3A_886 = arith.select %eq3A_884, %jit3A_885, %jit3A_882 : i32
    %rem3A_887 = arith.remsi %get3A_881, %select_n3A_886 : i32
    %ne3A_888 = arith.constant 0 : i32
    %ne3A_889 = arith.cmpi ne, %rem3A_887, %ne3A_888 : i32
    %lt3A_890 = arith.constant 0 : i32
    %lt3A_891 = arith.cmpi slt, %rem3A_887, %lt3A_890 : i32
    %lt3A_892 = arith.constant 0 : i32
    %lt3A_893 = arith.cmpi slt, %select_n3A_886, %lt3A_892 : i32
    %ne3A_894 = arith.xori %lt3A_891, %lt3A_893 : i1
    %and3A_895 = arith.andi %ne3A_894, %ne3A_889 : i1
    %add3A_896 = arith.addi %rem3A_887, %select_n3A_886 : i32
    %select_n3A_897 = arith.select %and3A_895, %add3A_896, %rem3A_887 : i32
    %broadcast_in_dim3A_898 = vector.broadcast %select_n3A_897 : i32 to vector<1x16x1x1xi32>
    %select_n3A_899 = arith.select %eq3A_879, %broadcast_in_dim3A_898, %select_n3A_869 : vector<1x16x1x1xi1>, vector<1x16x1x1xi32>
    %eq3A_900 = arith.constant 5 : i32
    %eq3A_901 = vector.broadcast %eq3A_900 : i32 to vector<16xi32>
    %eq3A_902 = arith.cmpi eq, %iota3A_727, %eq3A_901 : vector<16xi32>
    %get3A_903 = arith.constant 80 : index
    %get3A_904 = memref.load %arg1[%get3A_903] : memref<256xf32, #tpu.memory_space<smem>>
    %broadcast_in_dim3A_905 = vector.broadcast %get3A_904 : f32 to vector<16xf32>
    %select_n3A_906 = arith.select %eq3A_902, %broadcast_in_dim3A_905, %select_n3A_876 : vector<16xi1>, vector<16xf32>
    %eq3A_907 = arith.constant 6 : i32
    %eq3A_908 = vector.broadcast %eq3A_907 : i32 to vector<1x16x1x1xi32>
    %eq3A_909 = arith.cmpi eq, %iota3A, %eq3A_908 : vector<1x16x1x1xi32>
    %get3A_910 = arith.constant 96 : index
    %get3A_911 = memref.load %arg0[%get3A_910] : memref<256xi32, #tpu.memory_space<smem>>
    %jit3A_912 = arith.constant 128 : i32
    %eq3A_913 = arith.constant 0 : i32
    %eq3A_914 = arith.cmpi eq, %jit3A_912, %eq3A_913 : i32
    %jit3A_915 = arith.constant 1 : i32
    %select_n3A_916 = arith.select %eq3A_914, %jit3A_915, %jit3A_912 : i32
    %rem3A_917 = arith.remsi %get3A_911, %select_n3A_916 : i32
    %ne3A_918 = arith.constant 0 : i32
    %ne3A_919 = arith.cmpi ne, %rem3A_917, %ne3A_918 : i32
    %lt3A_920 = arith.constant 0 : i32
    %lt3A_921 = arith.cmpi slt, %rem3A_917, %lt3A_920 : i32
    %lt3A_922 = arith.constant 0 : i32
    %lt3A_923 = arith.cmpi slt, %select_n3A_916, %lt3A_922 : i32
    %ne3A_924 = arith.xori %lt3A_921, %lt3A_923 : i1
    %and3A_925 = arith.andi %ne3A_924, %ne3A_919 : i1
    %add3A_926 = arith.addi %rem3A_917, %select_n3A_916 : i32
    %select_n3A_927 = arith.select %and3A_925, %add3A_926, %rem3A_917 : i32
    %broadcast_in_dim3A_928 = vector.broadcast %select_n3A_927 : i32 to vector<1x16x1x1xi32>
    %select_n3A_929 = arith.select %eq3A_909, %broadcast_in_dim3A_928, %select_n3A_899 : vector<1x16x1x1xi1>, vector<1x16x1x1xi32>
    %eq3A_930 = arith.constant 6 : i32
    %eq3A_931 = vector.broadcast %eq3A_930 : i32 to vector<16xi32>
    %eq3A_932 = arith.cmpi eq, %iota3A_727, %eq3A_931 : vector<16xi32>
    %get3A_933 = arith.constant 96 : index
    %get3A_934 = memref.load %arg1[%get3A_933] : memref<256xf32, #tpu.memory_space<smem>>
    %broadcast_in_dim3A_935 = vector.broadcast %get3A_934 : f32 to vector<16xf32>
    %select_n3A_936 = arith.select %eq3A_932, %broadcast_in_dim3A_935, %select_n3A_906 : vector<16xi1>, vector<16xf32>
    %eq3A_937 = arith.constant 7 : i32
    %eq3A_938 = vector.broadcast %eq3A_937 : i32 to vector<1x16x1x1xi32>
    %eq3A_939 = arith.cmpi eq, %iota3A, %eq3A_938 : vector<1x16x1x1xi32>
    %get3A_940 = arith.constant 112 : index
    %get3A_941 = memref.load %arg0[%get3A_940] : memref<256xi32, #tpu.memory_space<smem>>
    %jit3A_942 = arith.constant 128 : i32
    %eq3A_943 = arith.constant 0 : i32
    %eq3A_944 = arith.cmpi eq, %jit3A_942, %eq3A_943 : i32
    %jit3A_945 = arith.constant 1 : i32
    %select_n3A_946 = arith.select %eq3A_944, %jit3A_945, %jit3A_942 : i32
    %rem3A_947 = arith.remsi %get3A_941, %select_n3A_946 : i32
    %ne3A_948 = arith.constant 0 : i32
    %ne3A_949 = arith.cmpi ne, %rem3A_947, %ne3A_948 : i32
    %lt3A_950 = arith.constant 0 : i32
    %lt3A_951 = arith.cmpi slt, %rem3A_947, %lt3A_950 : i32
    %lt3A_952 = arith.constant 0 : i32
    %lt3A_953 = arith.cmpi slt, %select_n3A_946, %lt3A_952 : i32
    %ne3A_954 = arith.xori %lt3A_951, %lt3A_953 : i1
    %and3A_955 = arith.andi %ne3A_954, %ne3A_949 : i1
    %add3A_956 = arith.addi %rem3A_947, %select_n3A_946 : i32
    %select_n3A_957 = arith.select %and3A_955, %add3A_956, %rem3A_947 : i32
    %broadcast_in_dim3A_958 = vector.broadcast %select_n3A_957 : i32 to vector<1x16x1x1xi32>
    %select_n3A_959 = arith.select %eq3A_939, %broadcast_in_dim3A_958, %select_n3A_929 : vector<1x16x1x1xi1>, vector<1x16x1x1xi32>
    %eq3A_960 = arith.constant 7 : i32
    %eq3A_961 = vector.broadcast %eq3A_960 : i32 to vector<16xi32>
    %eq3A_962 = arith.cmpi eq, %iota3A_727, %eq3A_961 : vector<16xi32>
    %get3A_963 = arith.constant 112 : index
    %get3A_964 = memref.load %arg1[%get3A_963] : memref<256xf32, #tpu.memory_space<smem>>
    %broadcast_in_dim3A_965 = vector.broadcast %get3A_964 : f32 to vector<16xf32>
    %select_n3A_966 = arith.select %eq3A_962, %broadcast_in_dim3A_965, %select_n3A_936 : vector<16xi1>, vector<16xf32>
    %eq3A_967 = arith.constant 8 : i32
    %eq3A_968 = vector.broadcast %eq3A_967 : i32 to vector<1x16x1x1xi32>
    %eq3A_969 = arith.cmpi eq, %iota3A, %eq3A_968 : vector<1x16x1x1xi32>
    %get3A_970 = arith.constant 128 : index
    %get3A_971 = memref.load %arg0[%get3A_970] : memref<256xi32, #tpu.memory_space<smem>>
    %jit3A_972 = arith.constant 128 : i32
    %eq3A_973 = arith.constant 0 : i32
    %eq3A_974 = arith.cmpi eq, %jit3A_972, %eq3A_973 : i32
    %jit3A_975 = arith.constant 1 : i32
    %select_n3A_976 = arith.select %eq3A_974, %jit3A_975, %jit3A_972 : i32
    %rem3A_977 = arith.remsi %get3A_971, %select_n3A_976 : i32
    %ne3A_978 = arith.constant 0 : i32
    %ne3A_979 = arith.cmpi ne, %rem3A_977, %ne3A_978 : i32
    %lt3A_980 = arith.constant 0 : i32
    %lt3A_981 = arith.cmpi slt, %rem3A_977, %lt3A_980 : i32
    %lt3A_982 = arith.constant 0 : i32
    %lt3A_983 = arith.cmpi slt, %select_n3A_976, %lt3A_982 : i32
    %ne3A_984 = arith.xori %lt3A_981, %lt3A_983 : i1
    %and3A_985 = arith.andi %ne3A_984, %ne3A_979 : i1
    %add3A_986 = arith.addi %rem3A_977, %select_n3A_976 : i32
    %select_n3A_987 = arith.select %and3A_985, %add3A_986, %rem3A_977 : i32
    %broadcast_in_dim3A_988 = vector.broadcast %select_n3A_987 : i32 to vector<1x16x1x1xi32>
    %select_n3A_989 = arith.select %eq3A_969, %broadcast_in_dim3A_988, %select_n3A_959 : vector<1x16x1x1xi1>, vector<1x16x1x1xi32>
    %eq3A_990 = arith.constant 8 : i32
    %eq3A_991 = vector.broadcast %eq3A_990 : i32 to vector<16xi32>
    %eq3A_992 = arith.cmpi eq, %iota3A_727, %eq3A_991 : vector<16xi32>
    %get3A_993 = arith.constant 128 : index
    %get3A_994 = memref.load %arg1[%get3A_993] : memref<256xf32, #tpu.memory_space<smem>>
    %broadcast_in_dim3A_995 = vector.broadcast %get3A_994 : f32 to vector<16xf32>
    %select_n3A_996 = arith.select %eq3A_992, %broadcast_in_dim3A_995, %select_n3A_966 : vector<16xi1>, vector<16xf32>
    %eq3A_997 = arith.constant 9 : i32
    %eq3A_998 = vector.broadcast %eq3A_997 : i32 to vector<1x16x1x1xi32>
    %eq3A_999 = arith.cmpi eq, %iota3A, %eq3A_998 : vector<1x16x1x1xi32>
    %get3A_1000 = arith.constant 144 : index
    %get3A_1001 = memref.load %arg0[%get3A_1000] : memref<256xi32, #tpu.memory_space<smem>>
    %jit3A_1002 = arith.constant 128 : i32
    %eq3A_1003 = arith.constant 0 : i32
    %eq3A_1004 = arith.cmpi eq, %jit3A_1002, %eq3A_1003 : i32
    %jit3A_1005 = arith.constant 1 : i32
    %select_n3A_1006 = arith.select %eq3A_1004, %jit3A_1005, %jit3A_1002 : i32
    %rem3A_1007 = arith.remsi %get3A_1001, %select_n3A_1006 : i32
    %ne3A_1008 = arith.constant 0 : i32
    %ne3A_1009 = arith.cmpi ne, %rem3A_1007, %ne3A_1008 : i32
    %lt3A_1010 = arith.constant 0 : i32
    %lt3A_1011 = arith.cmpi slt, %rem3A_1007, %lt3A_1010 : i32
    %lt3A_1012 = arith.constant 0 : i32
    %lt3A_1013 = arith.cmpi slt, %select_n3A_1006, %lt3A_1012 : i32
    %ne3A_1014 = arith.xori %lt3A_1011, %lt3A_1013 : i1
    %and3A_1015 = arith.andi %ne3A_1014, %ne3A_1009 : i1
    %add3A_1016 = arith.addi %rem3A_1007, %select_n3A_1006 : i32
    %select_n3A_1017 = arith.select %and3A_1015, %add3A_1016, %rem3A_1007 : i32
    %broadcast_in_dim3A_1018 = vector.broadcast %select_n3A_1017 : i32 to vector<1x16x1x1xi32>
    %select_n3A_1019 = arith.select %eq3A_999, %broadcast_in_dim3A_1018, %select_n3A_989 : vector<1x16x1x1xi1>, vector<1x16x1x1xi32>
    %eq3A_1020 = arith.constant 9 : i32
    %eq3A_1021 = vector.broadcast %eq3A_1020 : i32 to vector<16xi32>
    %eq3A_1022 = arith.cmpi eq, %iota3A_727, %eq3A_1021 : vector<16xi32>
    %get3A_1023 = arith.constant 144 : index
    %get3A_1024 = memref.load %arg1[%get3A_1023] : memref<256xf32, #tpu.memory_space<smem>>
    %broadcast_in_dim3A_1025 = vector.broadcast %get3A_1024 : f32 to vector<16xf32>
    %select_n3A_1026 = arith.select %eq3A_1022, %broadcast_in_dim3A_1025, %select_n3A_996 : vector<16xi1>, vector<16xf32>
    %eq3A_1027 = arith.constant 10 : i32
    %eq3A_1028 = vector.broadcast %eq3A_1027 : i32 to vector<1x16x1x1xi32>
    %eq3A_1029 = arith.cmpi eq, %iota3A, %eq3A_1028 : vector<1x16x1x1xi32>
    %get3A_1030 = arith.constant 160 : index
    %get3A_1031 = memref.load %arg0[%get3A_1030] : memref<256xi32, #tpu.memory_space<smem>>
    %jit3A_1032 = arith.constant 128 : i32
    %eq3A_1033 = arith.constant 0 : i32
    %eq3A_1034 = arith.cmpi eq, %jit3A_1032, %eq3A_1033 : i32
    %jit3A_1035 = arith.constant 1 : i32
    %select_n3A_1036 = arith.select %eq3A_1034, %jit3A_1035, %jit3A_1032 : i32
    %rem3A_1037 = arith.remsi %get3A_1031, %select_n3A_1036 : i32
    %ne3A_1038 = arith.constant 0 : i32
    %ne3A_1039 = arith.cmpi ne, %rem3A_1037, %ne3A_1038 : i32
    %lt3A_1040 = arith.constant 0 : i32
    %lt3A_1041 = arith.cmpi slt, %rem3A_1037, %lt3A_1040 : i32
    %lt3A_1042 = arith.constant 0 : i32
    %lt3A_1043 = arith.cmpi slt, %select_n3A_1036, %lt3A_1042 : i32
    %ne3A_1044 = arith.xori %lt3A_1041, %lt3A_1043 : i1
    %and3A_1045 = arith.andi %ne3A_1044, %ne3A_1039 : i1
    %add3A_1046 = arith.addi %rem3A_1037, %select_n3A_1036 : i32
    %select_n3A_1047 = arith.select %and3A_1045, %add3A_1046, %rem3A_1037 : i32
    %broadcast_in_dim3A_1048 = vector.broadcast %select_n3A_1047 : i32 to vector<1x16x1x1xi32>
    %select_n3A_1049 = arith.select %eq3A_1029, %broadcast_in_dim3A_1048, %select_n3A_1019 : vector<1x16x1x1xi1>, vector<1x16x1x1xi32>
    %eq3A_1050 = arith.constant 10 : i32
    %eq3A_1051 = vector.broadcast %eq3A_1050 : i32 to vector<16xi32>
    %eq3A_1052 = arith.cmpi eq, %iota3A_727, %eq3A_1051 : vector<16xi32>
    %get3A_1053 = arith.constant 160 : index
    %get3A_1054 = memref.load %arg1[%get3A_1053] : memref<256xf32, #tpu.memory_space<smem>>
    %broadcast_in_dim3A_1055 = vector.broadcast %get3A_1054 : f32 to vector<16xf32>
    %select_n3A_1056 = arith.select %eq3A_1052, %broadcast_in_dim3A_1055, %select_n3A_1026 : vector<16xi1>, vector<16xf32>
    %eq3A_1057 = arith.constant 11 : i32
    %eq3A_1058 = vector.broadcast %eq3A_1057 : i32 to vector<1x16x1x1xi32>
    %eq3A_1059 = arith.cmpi eq, %iota3A, %eq3A_1058 : vector<1x16x1x1xi32>
    %get3A_1060 = arith.constant 176 : index
    %get3A_1061 = memref.load %arg0[%get3A_1060] : memref<256xi32, #tpu.memory_space<smem>>
    %jit3A_1062 = arith.constant 128 : i32
    %eq3A_1063 = arith.constant 0 : i32
    %eq3A_1064 = arith.cmpi eq, %jit3A_1062, %eq3A_1063 : i32
    %jit3A_1065 = arith.constant 1 : i32
    %select_n3A_1066 = arith.select %eq3A_1064, %jit3A_1065, %jit3A_1062 : i32
    %rem3A_1067 = arith.remsi %get3A_1061, %select_n3A_1066 : i32
    %ne3A_1068 = arith.constant 0 : i32
    %ne3A_1069 = arith.cmpi ne, %rem3A_1067, %ne3A_1068 : i32
    %lt3A_1070 = arith.constant 0 : i32
    %lt3A_1071 = arith.cmpi slt, %rem3A_1067, %lt3A_1070 : i32
    %lt3A_1072 = arith.constant 0 : i32
    %lt3A_1073 = arith.cmpi slt, %select_n3A_1066, %lt3A_1072 : i32
    %ne3A_1074 = arith.xori %lt3A_1071, %lt3A_1073 : i1
    %and3A_1075 = arith.andi %ne3A_1074, %ne3A_1069 : i1
    %add3A_1076 = arith.addi %rem3A_1067, %select_n3A_1066 : i32
    %select_n3A_1077 = arith.select %and3A_1075, %add3A_1076, %rem3A_1067 : i32
    %broadcast_in_dim3A_1078 = vector.broadcast %select_n3A_1077 : i32 to vector<1x16x1x1xi32>
    %select_n3A_1079 = arith.select %eq3A_1059, %broadcast_in_dim3A_1078, %select_n3A_1049 : vector<1x16x1x1xi1>, vector<1x16x1x1xi32>
    %eq3A_1080 = arith.constant 11 : i32
    %eq3A_1081 = vector.broadcast %eq3A_1080 : i32 to vector<16xi32>
    %eq3A_1082 = arith.cmpi eq, %iota3A_727, %eq3A_1081 : vector<16xi32>
    %get3A_1083 = arith.constant 176 : index
    %get3A_1084 = memref.load %arg1[%get3A_1083] : memref<256xf32, #tpu.memory_space<smem>>
    %broadcast_in_dim3A_1085 = vector.broadcast %get3A_1084 : f32 to vector<16xf32>
    %select_n3A_1086 = arith.select %eq3A_1082, %broadcast_in_dim3A_1085, %select_n3A_1056 : vector<16xi1>, vector<16xf32>
    %eq3A_1087 = arith.constant 12 : i32
    %eq3A_1088 = vector.broadcast %eq3A_1087 : i32 to vector<1x16x1x1xi32>
    %eq3A_1089 = arith.cmpi eq, %iota3A, %eq3A_1088 : vector<1x16x1x1xi32>
    %get3A_1090 = arith.constant 192 : index
    %get3A_1091 = memref.load %arg0[%get3A_1090] : memref<256xi32, #tpu.memory_space<smem>>
    %jit3A_1092 = arith.constant 128 : i32
    %eq3A_1093 = arith.constant 0 : i32
    %eq3A_1094 = arith.cmpi eq, %jit3A_1092, %eq3A_1093 : i32
    %jit3A_1095 = arith.constant 1 : i32
    %select_n3A_1096 = arith.select %eq3A_1094, %jit3A_1095, %jit3A_1092 : i32
    %rem3A_1097 = arith.remsi %get3A_1091, %select_n3A_1096 : i32
    %ne3A_1098 = arith.constant 0 : i32
    %ne3A_1099 = arith.cmpi ne, %rem3A_1097, %ne3A_1098 : i32
    %lt3A_1100 = arith.constant 0 : i32
    %lt3A_1101 = arith.cmpi slt, %rem3A_1097, %lt3A_1100 : i32
    %lt3A_1102 = arith.constant 0 : i32
    %lt3A_1103 = arith.cmpi slt, %select_n3A_1096, %lt3A_1102 : i32
    %ne3A_1104 = arith.xori %lt3A_1101, %lt3A_1103 : i1
    %and3A_1105 = arith.andi %ne3A_1104, %ne3A_1099 : i1
    %add3A_1106 = arith.addi %rem3A_1097, %select_n3A_1096 : i32
    %select_n3A_1107 = arith.select %and3A_1105, %add3A_1106, %rem3A_1097 : i32
    %broadcast_in_dim3A_1108 = vector.broadcast %select_n3A_1107 : i32 to vector<1x16x1x1xi32>
    %select_n3A_1109 = arith.select %eq3A_1089, %broadcast_in_dim3A_1108, %select_n3A_1079 : vector<1x16x1x1xi1>, vector<1x16x1x1xi32>
    %eq3A_1110 = arith.constant 12 : i32
    %eq3A_1111 = vector.broadcast %eq3A_1110 : i32 to vector<16xi32>
    %eq3A_1112 = arith.cmpi eq, %iota3A_727, %eq3A_1111 : vector<16xi32>
    %get3A_1113 = arith.constant 192 : index
    %get3A_1114 = memref.load %arg1[%get3A_1113] : memref<256xf32, #tpu.memory_space<smem>>
    %broadcast_in_dim3A_1115 = vector.broadcast %get3A_1114 : f32 to vector<16xf32>
    %select_n3A_1116 = arith.select %eq3A_1112, %broadcast_in_dim3A_1115, %select_n3A_1086 : vector<16xi1>, vector<16xf32>
    %eq3A_1117 = arith.constant 13 : i32
    %eq3A_1118 = vector.broadcast %eq3A_1117 : i32 to vector<1x16x1x1xi32>
    %eq3A_1119 = arith.cmpi eq, %iota3A, %eq3A_1118 : vector<1x16x1x1xi32>
    %get3A_1120 = arith.constant 208 : index
    %get3A_1121 = memref.load %arg0[%get3A_1120] : memref<256xi32, #tpu.memory_space<smem>>
    %jit3A_1122 = arith.constant 128 : i32
    %eq3A_1123 = arith.constant 0 : i32
    %eq3A_1124 = arith.cmpi eq, %jit3A_1122, %eq3A_1123 : i32
    %jit3A_1125 = arith.constant 1 : i32
    %select_n3A_1126 = arith.select %eq3A_1124, %jit3A_1125, %jit3A_1122 : i32
    %rem3A_1127 = arith.remsi %get3A_1121, %select_n3A_1126 : i32
    %ne3A_1128 = arith.constant 0 : i32
    %ne3A_1129 = arith.cmpi ne, %rem3A_1127, %ne3A_1128 : i32
    %lt3A_1130 = arith.constant 0 : i32
    %lt3A_1131 = arith.cmpi slt, %rem3A_1127, %lt3A_1130 : i32
    %lt3A_1132 = arith.constant 0 : i32
    %lt3A_1133 = arith.cmpi slt, %select_n3A_1126, %lt3A_1132 : i32
    %ne3A_1134 = arith.xori %lt3A_1131, %lt3A_1133 : i1
    %and3A_1135 = arith.andi %ne3A_1134, %ne3A_1129 : i1
    %add3A_1136 = arith.addi %rem3A_1127, %select_n3A_1126 : i32
    %select_n3A_1137 = arith.select %and3A_1135, %add3A_1136, %rem3A_1127 : i32
    %broadcast_in_dim3A_1138 = vector.broadcast %select_n3A_1137 : i32 to vector<1x16x1x1xi32>
    %select_n3A_1139 = arith.select %eq3A_1119, %broadcast_in_dim3A_1138, %select_n3A_1109 : vector<1x16x1x1xi1>, vector<1x16x1x1xi32>
    %eq3A_1140 = arith.constant 13 : i32
    %eq3A_1141 = vector.broadcast %eq3A_1140 : i32 to vector<16xi32>
    %eq3A_1142 = arith.cmpi eq, %iota3A_727, %eq3A_1141 : vector<16xi32>
    %get3A_1143 = arith.constant 208 : index
    %get3A_1144 = memref.load %arg1[%get3A_1143] : memref<256xf32, #tpu.memory_space<smem>>
    %broadcast_in_dim3A_1145 = vector.broadcast %get3A_1144 : f32 to vector<16xf32>
    %select_n3A_1146 = arith.select %eq3A_1142, %broadcast_in_dim3A_1145, %select_n3A_1116 : vector<16xi1>, vector<16xf32>
    %eq3A_1147 = arith.constant 14 : i32
    %eq3A_1148 = vector.broadcast %eq3A_1147 : i32 to vector<1x16x1x1xi32>
    %eq3A_1149 = arith.cmpi eq, %iota3A, %eq3A_1148 : vector<1x16x1x1xi32>
    %get3A_1150 = arith.constant 224 : index
    %get3A_1151 = memref.load %arg0[%get3A_1150] : memref<256xi32, #tpu.memory_space<smem>>
    %jit3A_1152 = arith.constant 128 : i32
    %eq3A_1153 = arith.constant 0 : i32
    %eq3A_1154 = arith.cmpi eq, %jit3A_1152, %eq3A_1153 : i32
    %jit3A_1155 = arith.constant 1 : i32
    %select_n3A_1156 = arith.select %eq3A_1154, %jit3A_1155, %jit3A_1152 : i32
    %rem3A_1157 = arith.remsi %get3A_1151, %select_n3A_1156 : i32
    %ne3A_1158 = arith.constant 0 : i32
    %ne3A_1159 = arith.cmpi ne, %rem3A_1157, %ne3A_1158 : i32
    %lt3A_1160 = arith.constant 0 : i32
    %lt3A_1161 = arith.cmpi slt, %rem3A_1157, %lt3A_1160 : i32
    %lt3A_1162 = arith.constant 0 : i32
    %lt3A_1163 = arith.cmpi slt, %select_n3A_1156, %lt3A_1162 : i32
    %ne3A_1164 = arith.xori %lt3A_1161, %lt3A_1163 : i1
    %and3A_1165 = arith.andi %ne3A_1164, %ne3A_1159 : i1
    %add3A_1166 = arith.addi %rem3A_1157, %select_n3A_1156 : i32
    %select_n3A_1167 = arith.select %and3A_1165, %add3A_1166, %rem3A_1157 : i32
    %broadcast_in_dim3A_1168 = vector.broadcast %select_n3A_1167 : i32 to vector<1x16x1x1xi32>
    %select_n3A_1169 = arith.select %eq3A_1149, %broadcast_in_dim3A_1168, %select_n3A_1139 : vector<1x16x1x1xi1>, vector<1x16x1x1xi32>
    %eq3A_1170 = arith.constant 14 : i32
    %eq3A_1171 = vector.broadcast %eq3A_1170 : i32 to vector<16xi32>
    %eq3A_1172 = arith.cmpi eq, %iota3A_727, %eq3A_1171 : vector<16xi32>
    %get3A_1173 = arith.constant 224 : index
    %get3A_1174 = memref.load %arg1[%get3A_1173] : memref<256xf32, #tpu.memory_space<smem>>
    %broadcast_in_dim3A_1175 = vector.broadcast %get3A_1174 : f32 to vector<16xf32>
    %select_n3A_1176 = arith.select %eq3A_1172, %broadcast_in_dim3A_1175, %select_n3A_1146 : vector<16xi1>, vector<16xf32>
    %eq3A_1177 = arith.constant 15 : i32
    %eq3A_1178 = vector.broadcast %eq3A_1177 : i32 to vector<1x16x1x1xi32>
    %eq3A_1179 = arith.cmpi eq, %iota3A, %eq3A_1178 : vector<1x16x1x1xi32>
    %get3A_1180 = arith.constant 240 : index
    %get3A_1181 = memref.load %arg0[%get3A_1180] : memref<256xi32, #tpu.memory_space<smem>>
    %jit3A_1182 = arith.constant 128 : i32
    %eq3A_1183 = arith.constant 0 : i32
    %eq3A_1184 = arith.cmpi eq, %jit3A_1182, %eq3A_1183 : i32
    %jit3A_1185 = arith.constant 1 : i32
    %select_n3A_1186 = arith.select %eq3A_1184, %jit3A_1185, %jit3A_1182 : i32
    %rem3A_1187 = arith.remsi %get3A_1181, %select_n3A_1186 : i32
    %ne3A_1188 = arith.constant 0 : i32
    %ne3A_1189 = arith.cmpi ne, %rem3A_1187, %ne3A_1188 : i32
    %lt3A_1190 = arith.constant 0 : i32
    %lt3A_1191 = arith.cmpi slt, %rem3A_1187, %lt3A_1190 : i32
    %lt3A_1192 = arith.constant 0 : i32
    %lt3A_1193 = arith.cmpi slt, %select_n3A_1186, %lt3A_1192 : i32
    %ne3A_1194 = arith.xori %lt3A_1191, %lt3A_1193 : i1
    %and3A_1195 = arith.andi %ne3A_1194, %ne3A_1189 : i1
    %add3A_1196 = arith.addi %rem3A_1187, %select_n3A_1186 : i32
    %select_n3A_1197 = arith.select %and3A_1195, %add3A_1196, %rem3A_1187 : i32
    %broadcast_in_dim3A_1198 = vector.broadcast %select_n3A_1197 : i32 to vector<1x16x1x1xi32>
    %select_n3A_1199 = arith.select %eq3A_1179, %broadcast_in_dim3A_1198, %select_n3A_1169 : vector<1x16x1x1xi1>, vector<1x16x1x1xi32>
    %eq3A_1200 = arith.constant 15 : i32
    %eq3A_1201 = vector.broadcast %eq3A_1200 : i32 to vector<16xi32>
    %eq3A_1202 = arith.cmpi eq, %iota3A_727, %eq3A_1201 : vector<16xi32>
    %get3A_1203 = arith.constant 240 : index
    %get3A_1204 = memref.load %arg1[%get3A_1203] : memref<256xf32, #tpu.memory_space<smem>>
    %broadcast_in_dim3A_1205 = vector.broadcast %get3A_1204 : f32 to vector<16xf32>
    %select_n3A_1206 = arith.select %eq3A_1202, %broadcast_in_dim3A_1205, %select_n3A_1176 : vector<16xi1>, vector<16xf32>
    %swap3A = arith.constant 0 : index
    %swap3A_1207 = vector.load %arg4[%swap3A] : memref<16xf32, #tpu.memory_space<vmem>>, vector<16xf32>
    tpu.vector_store %arg4[%swap3A], %select_n3A_1206 {strides = array<i32>} : memref<16xf32, #tpu.memory_space<vmem>>, vector<16xf32>,
    %dma_wait3A = arith.constant 0 : i32
    %dma_wait3A_1208 = arith.constant 0 : i32
    %dma_wait3A_1209 = arith.constant 0 : i32
    %dma_wait3A_1210 = arith.constant 0 : i32
    %dma_wait3A_1211 = tpu.memref_slice %arg6[%dma_wait3A_1208, %dma_wait3A, %dma_wait3A_1209, %dma_wait3A_1210] : memref<6x16x8x128xf32, #tpu.memory_space<vmem>> -> memref<6x1x8x128xf32, #tpu.memory_space<vmem>>
    %dma_wait3A_1212 = tpu.memref_squeeze %dma_wait3A_1211 : memref<6x1x8x128xf32, #tpu.memory_space<vmem>> -> memref<6x8x128xf32, #tpu.memory_space<vmem>>
    %dma_wait3A_1213 = arith.constant 0 : i32
    %dma_wait3A_1214 = arith.constant 0 : i32
    %dma_wait3A_1215 = tpu.memref_slice %arg2[%dma_wait3A_1213, %dma_wait3A_1214, %mul3A_17] : memref<6x16x20000xf32, #tpu.memory_space<any>> -> memref<6x8x128xf32, #tpu.memory_space<any>>
    tpu.wait_dma2 semaphore(%arg8 : memref<!tpu.dma_semaphore, #tpu.memory_space<semaphore_mem>>) src(%dma_wait3A_1215 : memref<6x8x128xf32, #tpu.memory_space<any>>) dst(%dma_wait3A_1212 : memref<6x8x128xf32, #tpu.memory_space<vmem>>)
    %dma_wait3A_1216 = arith.constant 0 : i32
    %dma_wait3A_1217 = arith.constant 0 : i32
    %dma_wait3A_1218 = arith.constant 0 : i32
    %dma_wait3A_1219 = arith.constant 0 : i32
    %dma_wait3A_1220 = tpu.memref_slice %arg7[%dma_wait3A_1217, %dma_wait3A_1216, %dma_wait3A_1218, %dma_wait3A_1219] : memref<6x16x8x128xf32, #tpu.memory_space<vmem>> -> memref<6x1x8x128xf32, #tpu.memory_space<vmem>>
    %dma_wait3A_1221 = tpu.memref_squeeze %dma_wait3A_1220 : memref<6x1x8x128xf32, #tpu.memory_space<vmem>> -> memref<6x8x128xf32, #tpu.memory_space<vmem>>
    %dma_wait3A_1222 = arith.constant 0 : i32
    %dma_wait3A_1223 = arith.constant 0 : i32
    %dma_wait3A_1224 = tpu.memref_slice %arg3[%dma_wait3A_1222, %dma_wait3A_1223, %mul3A_17] : memref<6x16x20000xf32, #tpu.memory_space<any>> -> memref<6x8x128xf32, #tpu.memory_space<any>>
    tpu.wait_dma2 semaphore(%arg9 : memref<!tpu.dma_semaphore, #tpu.memory_space<semaphore_mem>>) src(%dma_wait3A_1224 : memref<6x8x128xf32, #tpu.memory_space<any>>) dst(%dma_wait3A_1221 : memref<6x8x128xf32, #tpu.memory_space<vmem>>)
    %dma_wait3A_1225 = arith.constant 1 : i32
    %dma_wait3A_1226 = arith.constant 0 : i32
    %dma_wait3A_1227 = arith.constant 0 : i32
    %dma_wait3A_1228 = arith.constant 0 : i32
    %dma_wait3A_1229 = tpu.memref_slice %arg6[%dma_wait3A_1226, %dma_wait3A_1225, %dma_wait3A_1227, %dma_wait3A_1228] : memref<6x16x8x128xf32, #tpu.memory_space<vmem>> -> memref<6x1x8x128xf32, #tpu.memory_space<vmem>>
    %dma_wait3A_1230 = tpu.memref_squeeze %dma_wait3A_1229 : memref<6x1x8x128xf32, #tpu.memory_space<vmem>> -> memref<6x8x128xf32, #tpu.memory_space<vmem>>
    %dma_wait3A_1231 = arith.constant 0 : i32
    %dma_wait3A_1232 = arith.constant 0 : i32
    %dma_wait3A_1233 = tpu.memref_slice %arg2[%dma_wait3A_1231, %dma_wait3A_1232, %mul3A_45] : memref<6x16x20000xf32, #tpu.memory_space<any>> -> memref<6x8x128xf32, #tpu.memory_space<any>>
    tpu.wait_dma2 semaphore(%arg8 : memref<!tpu.dma_semaphore, #tpu.memory_space<semaphore_mem>>) src(%dma_wait3A_1233 : memref<6x8x128xf32, #tpu.memory_space<any>>) dst(%dma_wait3A_1230 : memref<6x8x128xf32, #tpu.memory_space<vmem>>)
    %dma_wait3A_1234 = arith.constant 1 : i32
    %dma_wait3A_1235 = arith.constant 0 : i32
    %dma_wait3A_1236 = arith.constant 0 : i32
    %dma_wait3A_1237 = arith.constant 0 : i32
    %dma_wait3A_1238 = tpu.memref_slice %arg7[%dma_wait3A_1235, %dma_wait3A_1234, %dma_wait3A_1236, %dma_wait3A_1237] : memref<6x16x8x128xf32, #tpu.memory_space<vmem>> -> memref<6x1x8x128xf32, #tpu.memory_space<vmem>>
    %dma_wait3A_1239 = tpu.memref_squeeze %dma_wait3A_1238 : memref<6x1x8x128xf32, #tpu.memory_space<vmem>> -> memref<6x8x128xf32, #tpu.memory_space<vmem>>
    %dma_wait3A_1240 = arith.constant 0 : i32
    %dma_wait3A_1241 = arith.constant 0 : i32
    %dma_wait3A_1242 = tpu.memref_slice %arg3[%dma_wait3A_1240, %dma_wait3A_1241, %mul3A_45] : memref<6x16x20000xf32, #tpu.memory_space<any>> -> memref<6x8x128xf32, #tpu.memory_space<any>>
    tpu.wait_dma2 semaphore(%arg9 : memref<!tpu.dma_semaphore, #tpu.memory_space<semaphore_mem>>) src(%dma_wait3A_1242 : memref<6x8x128xf32, #tpu.memory_space<any>>) dst(%dma_wait3A_1239 : memref<6x8x128xf32, #tpu.memory_space<vmem>>)
    %dma_wait3A_1243 = arith.constant 2 : i32
    %dma_wait3A_1244 = arith.constant 0 : i32
    %dma_wait3A_1245 = arith.constant 0 : i32
    %dma_wait3A_1246 = arith.constant 0 : i32
    %dma_wait3A_1247 = tpu.memref_slice %arg6[%dma_wait3A_1244, %dma_wait3A_1243, %dma_wait3A_1245, %dma_wait3A_1246] : memref<6x16x8x128xf32, #tpu.memory_space<vmem>> -> memref<6x1x8x128xf32, #tpu.memory_space<vmem>>
    %dma_wait3A_1248 = tpu.memref_squeeze %dma_wait3A_1247 : memref<6x1x8x128xf32, #tpu.memory_space<vmem>> -> memref<6x8x128xf32, #tpu.memory_space<vmem>>
    %dma_wait3A_1249 = arith.constant 0 : i32
    %dma_wait3A_1250 = arith.constant 0 : i32
    %dma_wait3A_1251 = tpu.memref_slice %arg2[%dma_wait3A_1249, %dma_wait3A_1250, %mul3A_73] : memref<6x16x20000xf32, #tpu.memory_space<any>> -> memref<6x8x128xf32, #tpu.memory_space<any>>
    tpu.wait_dma2 semaphore(%arg8 : memref<!tpu.dma_semaphore, #tpu.memory_space<semaphore_mem>>) src(%dma_wait3A_1251 : memref<6x8x128xf32, #tpu.memory_space<any>>) dst(%dma_wait3A_1248 : memref<6x8x128xf32, #tpu.memory_space<vmem>>)
    %dma_wait3A_1252 = arith.constant 2 : i32
    %dma_wait3A_1253 = arith.constant 0 : i32
    %dma_wait3A_1254 = arith.constant 0 : i32
    %dma_wait3A_1255 = arith.constant 0 : i32
    %dma_wait3A_1256 = tpu.memref_slice %arg7[%dma_wait3A_1253, %dma_wait3A_1252, %dma_wait3A_1254, %dma_wait3A_1255] : memref<6x16x8x128xf32, #tpu.memory_space<vmem>> -> memref<6x1x8x128xf32, #tpu.memory_space<vmem>>
    %dma_wait3A_1257 = tpu.memref_squeeze %dma_wait3A_1256 : memref<6x1x8x128xf32, #tpu.memory_space<vmem>> -> memref<6x8x128xf32, #tpu.memory_space<vmem>>
    %dma_wait3A_1258 = arith.constant 0 : i32
    %dma_wait3A_1259 = arith.constant 0 : i32
    %dma_wait3A_1260 = tpu.memref_slice %arg3[%dma_wait3A_1258, %dma_wait3A_1259, %mul3A_73] : memref<6x16x20000xf32, #tpu.memory_space<any>> -> memref<6x8x128xf32, #tpu.memory_space<any>>
    tpu.wait_dma2 semaphore(%arg9 : memref<!tpu.dma_semaphore, #tpu.memory_space<semaphore_mem>>) src(%dma_wait3A_1260 : memref<6x8x128xf32, #tpu.memory_space<any>>) dst(%dma_wait3A_1257 : memref<6x8x128xf32, #tpu.memory_space<vmem>>)
    %dma_wait3A_1261 = arith.constant 3 : i32
    %dma_wait3A_1262 = arith.constant 0 : i32
    %dma_wait3A_1263 = arith.constant 0 : i32
    %dma_wait3A_1264 = arith.constant 0 : i32
    %dma_wait3A_1265 = tpu.memref_slice %arg6[%dma_wait3A_1262, %dma_wait3A_1261, %dma_wait3A_1263, %dma_wait3A_1264] : memref<6x16x8x128xf32, #tpu.memory_space<vmem>> -> memref<6x1x8x128xf32, #tpu.memory_space<vmem>>
    %dma_wait3A_1266 = tpu.memref_squeeze %dma_wait3A_1265 : memref<6x1x8x128xf32, #tpu.memory_space<vmem>> -> memref<6x8x128xf32, #tpu.memory_space<vmem>>
    %dma_wait3A_1267 = arith.constant 0 : i32
    %dma_wait3A_1268 = arith.constant 0 : i32
    %dma_wait3A_1269 = tpu.memref_slice %arg2[%dma_wait3A_1267, %dma_wait3A_1268, %mul3A_101] : memref<6x16x20000xf32, #tpu.memory_space<any>> -> memref<6x8x128xf32, #tpu.memory_space<any>>
    tpu.wait_dma2 semaphore(%arg8 : memref<!tpu.dma_semaphore, #tpu.memory_space<semaphore_mem>>) src(%dma_wait3A_1269 : memref<6x8x128xf32, #tpu.memory_space<any>>) dst(%dma_wait3A_1266 : memref<6x8x128xf32, #tpu.memory_space<vmem>>)
    %dma_wait3A_1270 = arith.constant 3 : i32
    %dma_wait3A_1271 = arith.constant 0 : i32
    %dma_wait3A_1272 = arith.constant 0 : i32
    %dma_wait3A_1273 = arith.constant 0 : i32
    %dma_wait3A_1274 = tpu.memref_slice %arg7[%dma_wait3A_1271, %dma_wait3A_1270, %dma_wait3A_1272, %dma_wait3A_1273] : memref<6x16x8x128xf32, #tpu.memory_space<vmem>> -> memref<6x1x8x128xf32, #tpu.memory_space<vmem>>
    %dma_wait3A_1275 = tpu.memref_squeeze %dma_wait3A_1274 : memref<6x1x8x128xf32, #tpu.memory_space<vmem>> -> memref<6x8x128xf32, #tpu.memory_space<vmem>>
    %dma_wait3A_1276 = arith.constant 0 : i32
    %dma_wait3A_1277 = arith.constant 0 : i32
    %dma_wait3A_1278 = tpu.memref_slice %arg3[%dma_wait3A_1276, %dma_wait3A_1277, %mul3A_101] : memref<6x16x20000xf32, #tpu.memory_space<any>> -> memref<6x8x128xf32, #tpu.memory_space<any>>
    tpu.wait_dma2 semaphore(%arg9 : memref<!tpu.dma_semaphore, #tpu.memory_space<semaphore_mem>>) src(%dma_wait3A_1278 : memref<6x8x128xf32, #tpu.memory_space<any>>) dst(%dma_wait3A_1275 : memref<6x8x128xf32, #tpu.memory_space<vmem>>)
    %dma_wait3A_1279 = arith.constant 4 : i32
    %dma_wait3A_1280 = arith.constant 0 : i32
    %dma_wait3A_1281 = arith.constant 0 : i32
    %dma_wait3A_1282 = arith.constant 0 : i32
    %dma_wait3A_1283 = tpu.memref_slice %arg6[%dma_wait3A_1280, %dma_wait3A_1279, %dma_wait3A_1281, %dma_wait3A_1282] : memref<6x16x8x128xf32, #tpu.memory_space<vmem>> -> memref<6x1x8x128xf32, #tpu.memory_space<vmem>>
    %dma_wait3A_1284 = tpu.memref_squeeze %dma_wait3A_1283 : memref<6x1x8x128xf32, #tpu.memory_space<vmem>> -> memref<6x8x128xf32, #tpu.memory_space<vmem>>
    %dma_wait3A_1285 = arith.constant 0 : i32
    %dma_wait3A_1286 = arith.constant 0 : i32
    %dma_wait3A_1287 = tpu.memref_slice %arg2[%dma_wait3A_1285, %dma_wait3A_1286, %mul3A_129] : memref<6x16x20000xf32, #tpu.memory_space<any>> -> memref<6x8x128xf32, #tpu.memory_space<any>>
    tpu.wait_dma2 semaphore(%arg8 : memref<!tpu.dma_semaphore, #tpu.memory_space<semaphore_mem>>) src(%dma_wait3A_1287 : memref<6x8x128xf32, #tpu.memory_space<any>>) dst(%dma_wait3A_1284 : memref<6x8x128xf32, #tpu.memory_space<vmem>>)
    %dma_wait3A_1288 = arith.constant 4 : i32
    %dma_wait3A_1289 = arith.constant 0 : i32
    %dma_wait3A_1290 = arith.constant 0 : i32
    %dma_wait3A_1291 = arith.constant 0 : i32
    %dma_wait3A_1292 = tpu.memref_slice %arg7[%dma_wait3A_1289, %dma_wait3A_1288, %dma_wait3A_1290, %dma_wait3A_1291] : memref<6x16x8x128xf32, #tpu.memory_space<vmem>> -> memref<6x1x8x128xf32, #tpu.memory_space<vmem>>
    %dma_wait3A_1293 = tpu.memref_squeeze %dma_wait3A_1292 : memref<6x1x8x128xf32, #tpu.memory_space<vmem>> -> memref<6x8x128xf32, #tpu.memory_space<vmem>>
    %dma_wait3A_1294 = arith.constant 0 : i32
    %dma_wait3A_1295 = arith.constant 0 : i32
    %dma_wait3A_1296 = tpu.memref_slice %arg3[%dma_wait3A_1294, %dma_wait3A_1295, %mul3A_129] : memref<6x16x20000xf32, #tpu.memory_space<any>> -> memref<6x8x128xf32, #tpu.memory_space<any>>
    tpu.wait_dma2 semaphore(%arg9 : memref<!tpu.dma_semaphore, #tpu.memory_space<semaphore_mem>>) src(%dma_wait3A_1296 : memref<6x8x128xf32, #tpu.memory_space<any>>) dst(%dma_wait3A_1293 : memref<6x8x128xf32, #tpu.memory_space<vmem>>)
    %dma_wait3A_1297 = arith.constant 5 : i32
    %dma_wait3A_1298 = arith.constant 0 : i32
    %dma_wait3A_1299 = arith.constant 0 : i32
    %dma_wait3A_1300 = arith.constant 0 : i32
    %dma_wait3A_1301 = tpu.memref_slice %arg6[%dma_wait3A_1298, %dma_wait3A_1297, %dma_wait3A_1299, %dma_wait3A_1300] : memref<6x16x8x128xf32, #tpu.memory_space<vmem>> -> memref<6x1x8x128xf32, #tpu.memory_space<vmem>>
    %dma_wait3A_1302 = tpu.memref_squeeze %dma_wait3A_1301 : memref<6x1x8x128xf32, #tpu.memory_space<vmem>> -> memref<6x8x128xf32, #tpu.memory_space<vmem>>
    %dma_wait3A_1303 = arith.constant 0 : i32
    %dma_wait3A_1304 = arith.constant 0 : i32
    %dma_wait3A_1305 = tpu.memref_slice %arg2[%dma_wait3A_1303, %dma_wait3A_1304, %mul3A_157] : memref<6x16x20000xf32, #tpu.memory_space<any>> -> memref<6x8x128xf32, #tpu.memory_space<any>>
    tpu.wait_dma2 semaphore(%arg8 : memref<!tpu.dma_semaphore, #tpu.memory_space<semaphore_mem>>) src(%dma_wait3A_1305 : memref<6x8x128xf32, #tpu.memory_space<any>>) dst(%dma_wait3A_1302 : memref<6x8x128xf32, #tpu.memory_space<vmem>>)
    %dma_wait3A_1306 = arith.constant 5 : i32
    %dma_wait3A_1307 = arith.constant 0 : i32
    %dma_wait3A_1308 = arith.constant 0 : i32
    %dma_wait3A_1309 = arith.constant 0 : i32
    %dma_wait3A_1310 = tpu.memref_slice %arg7[%dma_wait3A_1307, %dma_wait3A_1306, %dma_wait3A_1308, %dma_wait3A_1309] : memref<6x16x8x128xf32, #tpu.memory_space<vmem>> -> memref<6x1x8x128xf32, #tpu.memory_space<vmem>>
    %dma_wait3A_1311 = tpu.memref_squeeze %dma_wait3A_1310 : memref<6x1x8x128xf32, #tpu.memory_space<vmem>> -> memref<6x8x128xf32, #tpu.memory_space<vmem>>
    %dma_wait3A_1312 = arith.constant 0 : i32
    %dma_wait3A_1313 = arith.constant 0 : i32
    %dma_wait3A_1314 = tpu.memref_slice %arg3[%dma_wait3A_1312, %dma_wait3A_1313, %mul3A_157] : memref<6x16x20000xf32, #tpu.memory_space<any>> -> memref<6x8x128xf32, #tpu.memory_space<any>>
    tpu.wait_dma2 semaphore(%arg9 : memref<!tpu.dma_semaphore, #tpu.memory_space<semaphore_mem>>) src(%dma_wait3A_1314 : memref<6x8x128xf32, #tpu.memory_space<any>>) dst(%dma_wait3A_1311 : memref<6x8x128xf32, #tpu.memory_space<vmem>>)
    %dma_wait3A_1315 = arith.constant 6 : i32
    %dma_wait3A_1316 = arith.constant 0 : i32
    %dma_wait3A_1317 = arith.constant 0 : i32
    %dma_wait3A_1318 = arith.constant 0 : i32
    %dma_wait3A_1319 = tpu.memref_slice %arg6[%dma_wait3A_1316, %dma_wait3A_1315, %dma_wait3A_1317, %dma_wait3A_1318] : memref<6x16x8x128xf32, #tpu.memory_space<vmem>> -> memref<6x1x8x128xf32, #tpu.memory_space<vmem>>
    %dma_wait3A_1320 = tpu.memref_squeeze %dma_wait3A_1319 : memref<6x1x8x128xf32, #tpu.memory_space<vmem>> -> memref<6x8x128xf32, #tpu.memory_space<vmem>>
    %dma_wait3A_1321 = arith.constant 0 : i32
    %dma_wait3A_1322 = arith.constant 0 : i32
    %dma_wait3A_1323 = tpu.memref_slice %arg2[%dma_wait3A_1321, %dma_wait3A_1322, %mul3A_185] : memref<6x16x20000xf32, #tpu.memory_space<any>> -> memref<6x8x128xf32, #tpu.memory_space<any>>
    tpu.wait_dma2 semaphore(%arg8 : memref<!tpu.dma_semaphore, #tpu.memory_space<semaphore_mem>>) src(%dma_wait3A_1323 : memref<6x8x128xf32, #tpu.memory_space<any>>) dst(%dma_wait3A_1320 : memref<6x8x128xf32, #tpu.memory_space<vmem>>)
    %dma_wait3A_1324 = arith.constant 6 : i32
    %dma_wait3A_1325 = arith.constant 0 : i32
    %dma_wait3A_1326 = arith.constant 0 : i32
    %dma_wait3A_1327 = arith.constant 0 : i32
    %dma_wait3A_1328 = tpu.memref_slice %arg7[%dma_wait3A_1325, %dma_wait3A_1324, %dma_wait3A_1326, %dma_wait3A_1327] : memref<6x16x8x128xf32, #tpu.memory_space<vmem>> -> memref<6x1x8x128xf32, #tpu.memory_space<vmem>>
    %dma_wait3A_1329 = tpu.memref_squeeze %dma_wait3A_1328 : memref<6x1x8x128xf32, #tpu.memory_space<vmem>> -> memref<6x8x128xf32, #tpu.memory_space<vmem>>
    %dma_wait3A_1330 = arith.constant 0 : i32
    %dma_wait3A_1331 = arith.constant 0 : i32
    %dma_wait3A_1332 = tpu.memref_slice %arg3[%dma_wait3A_1330, %dma_wait3A_1331, %mul3A_185] : memref<6x16x20000xf32, #tpu.memory_space<any>> -> memref<6x8x128xf32, #tpu.memory_space<any>>
    tpu.wait_dma2 semaphore(%arg9 : memref<!tpu.dma_semaphore, #tpu.memory_space<semaphore_mem>>) src(%dma_wait3A_1332 : memref<6x8x128xf32, #tpu.memory_space<any>>) dst(%dma_wait3A_1329 : memref<6x8x128xf32, #tpu.memory_space<vmem>>)
    %dma_wait3A_1333 = arith.constant 7 : i32
    %dma_wait3A_1334 = arith.constant 0 : i32
    %dma_wait3A_1335 = arith.constant 0 : i32
    %dma_wait3A_1336 = arith.constant 0 : i32
    %dma_wait3A_1337 = tpu.memref_slice %arg6[%dma_wait3A_1334, %dma_wait3A_1333, %dma_wait3A_1335, %dma_wait3A_1336] : memref<6x16x8x128xf32, #tpu.memory_space<vmem>> -> memref<6x1x8x128xf32, #tpu.memory_space<vmem>>
    %dma_wait3A_1338 = tpu.memref_squeeze %dma_wait3A_1337 : memref<6x1x8x128xf32, #tpu.memory_space<vmem>> -> memref<6x8x128xf32, #tpu.memory_space<vmem>>
    %dma_wait3A_1339 = arith.constant 0 : i32
    %dma_wait3A_1340 = arith.constant 0 : i32
    %dma_wait3A_1341 = tpu.memref_slice %arg2[%dma_wait3A_1339, %dma_wait3A_1340, %mul3A_213] : memref<6x16x20000xf32, #tpu.memory_space<any>> -> memref<6x8x128xf32, #tpu.memory_space<any>>
    tpu.wait_dma2 semaphore(%arg8 : memref<!tpu.dma_semaphore, #tpu.memory_space<semaphore_mem>>) src(%dma_wait3A_1341 : memref<6x8x128xf32, #tpu.memory_space<any>>) dst(%dma_wait3A_1338 : memref<6x8x128xf32, #tpu.memory_space<vmem>>)
    %dma_wait3A_1342 = arith.constant 7 : i32
    %dma_wait3A_1343 = arith.constant 0 : i32
    %dma_wait3A_1344 = arith.constant 0 : i32
    %dma_wait3A_1345 = arith.constant 0 : i32
    %dma_wait3A_1346 = tpu.memref_slice %arg7[%dma_wait3A_1343, %dma_wait3A_1342, %dma_wait3A_1344, %dma_wait3A_1345] : memref<6x16x8x128xf32, #tpu.memory_space<vmem>> -> memref<6x1x8x128xf32, #tpu.memory_space<vmem>>
    %dma_wait3A_1347 = tpu.memref_squeeze %dma_wait3A_1346 : memref<6x1x8x128xf32, #tpu.memory_space<vmem>> -> memref<6x8x128xf32, #tpu.memory_space<vmem>>
    %dma_wait3A_1348 = arith.constant 0 : i32
    %dma_wait3A_1349 = arith.constant 0 : i32
    %dma_wait3A_1350 = tpu.memref_slice %arg3[%dma_wait3A_1348, %dma_wait3A_1349, %mul3A_213] : memref<6x16x20000xf32, #tpu.memory_space<any>> -> memref<6x8x128xf32, #tpu.memory_space<any>>
    tpu.wait_dma2 semaphore(%arg9 : memref<!tpu.dma_semaphore, #tpu.memory_space<semaphore_mem>>) src(%dma_wait3A_1350 : memref<6x8x128xf32, #tpu.memory_space<any>>) dst(%dma_wait3A_1347 : memref<6x8x128xf32, #tpu.memory_space<vmem>>)
    %dma_wait3A_1351 = arith.constant 8 : i32
    %dma_wait3A_1352 = arith.constant 0 : i32
    %dma_wait3A_1353 = arith.constant 0 : i32
    %dma_wait3A_1354 = arith.constant 0 : i32
    %dma_wait3A_1355 = tpu.memref_slice %arg6[%dma_wait3A_1352, %dma_wait3A_1351, %dma_wait3A_1353, %dma_wait3A_1354] : memref<6x16x8x128xf32, #tpu.memory_space<vmem>> -> memref<6x1x8x128xf32, #tpu.memory_space<vmem>>
    %dma_wait3A_1356 = tpu.memref_squeeze %dma_wait3A_1355 : memref<6x1x8x128xf32, #tpu.memory_space<vmem>> -> memref<6x8x128xf32, #tpu.memory_space<vmem>>
    %dma_wait3A_1357 = arith.constant 0 : i32
    %dma_wait3A_1358 = arith.constant 8 : i32
    %dma_wait3A_1359 = tpu.memref_slice %arg2[%dma_wait3A_1357, %dma_wait3A_1358, %mul3A_241] : memref<6x16x20000xf32, #tpu.memory_space<any>> -> memref<6x8x128xf32, #tpu.memory_space<any>>
    tpu.wait_dma2 semaphore(%arg8 : memref<!tpu.dma_semaphore, #tpu.memory_space<semaphore_mem>>) src(%dma_wait3A_1359 : memref<6x8x128xf32, #tpu.memory_space<any>>) dst(%dma_wait3A_1356 : memref<6x8x128xf32, #tpu.memory_space<vmem>>)
    %dma_wait3A_1360 = arith.constant 8 : i32
    %dma_wait3A_1361 = arith.constant 0 : i32
    %dma_wait3A_1362 = arith.constant 0 : i32
    %dma_wait3A_1363 = arith.constant 0 : i32
    %dma_wait3A_1364 = tpu.memref_slice %arg7[%dma_wait3A_1361, %dma_wait3A_1360, %dma_wait3A_1362, %dma_wait3A_1363] : memref<6x16x8x128xf32, #tpu.memory_space<vmem>> -> memref<6x1x8x128xf32, #tpu.memory_space<vmem>>
    %dma_wait3A_1365 = tpu.memref_squeeze %dma_wait3A_1364 : memref<6x1x8x128xf32, #tpu.memory_space<vmem>> -> memref<6x8x128xf32, #tpu.memory_space<vmem>>
    %dma_wait3A_1366 = arith.constant 0 : i32
    %dma_wait3A_1367 = arith.constant 8 : i32
    %dma_wait3A_1368 = tpu.memref_slice %arg3[%dma_wait3A_1366, %dma_wait3A_1367, %mul3A_241] : memref<6x16x20000xf32, #tpu.memory_space<any>> -> memref<6x8x128xf32, #tpu.memory_space<any>>
    tpu.wait_dma2 semaphore(%arg9 : memref<!tpu.dma_semaphore, #tpu.memory_space<semaphore_mem>>) src(%dma_wait3A_1368 : memref<6x8x128xf32, #tpu.memory_space<any>>) dst(%dma_wait3A_1365 : memref<6x8x128xf32, #tpu.memory_space<vmem>>)
    %dma_wait3A_1369 = arith.constant 9 : i32
    %dma_wait3A_1370 = arith.constant 0 : i32
    %dma_wait3A_1371 = arith.constant 0 : i32
    %dma_wait3A_1372 = arith.constant 0 : i32
    %dma_wait3A_1373 = tpu.memref_slice %arg6[%dma_wait3A_1370, %dma_wait3A_1369, %dma_wait3A_1371, %dma_wait3A_1372] : memref<6x16x8x128xf32, #tpu.memory_space<vmem>> -> memref<6x1x8x128xf32, #tpu.memory_space<vmem>>
    %dma_wait3A_1374 = tpu.memref_squeeze %dma_wait3A_1373 : memref<6x1x8x128xf32, #tpu.memory_space<vmem>> -> memref<6x8x128xf32, #tpu.memory_space<vmem>>
    %dma_wait3A_1375 = arith.constant 0 : i32
    %dma_wait3A_1376 = arith.constant 8 : i32
    %dma_wait3A_1377 = tpu.memref_slice %arg2[%dma_wait3A_1375, %dma_wait3A_1376, %mul3A_269] : memref<6x16x20000xf32, #tpu.memory_space<any>> -> memref<6x8x128xf32, #tpu.memory_space<any>>
    tpu.wait_dma2 semaphore(%arg8 : memref<!tpu.dma_semaphore, #tpu.memory_space<semaphore_mem>>) src(%dma_wait3A_1377 : memref<6x8x128xf32, #tpu.memory_space<any>>) dst(%dma_wait3A_1374 : memref<6x8x128xf32, #tpu.memory_space<vmem>>)
    %dma_wait3A_1378 = arith.constant 9 : i32
    %dma_wait3A_1379 = arith.constant 0 : i32
    %dma_wait3A_1380 = arith.constant 0 : i32
    %dma_wait3A_1381 = arith.constant 0 : i32
    %dma_wait3A_1382 = tpu.memref_slice %arg7[%dma_wait3A_1379, %dma_wait3A_1378, %dma_wait3A_1380, %dma_wait3A_1381] : memref<6x16x8x128xf32, #tpu.memory_space<vmem>> -> memref<6x1x8x128xf32, #tpu.memory_space<vmem>>
    %dma_wait3A_1383 = tpu.memref_squeeze %dma_wait3A_1382 : memref<6x1x8x128xf32, #tpu.memory_space<vmem>> -> memref<6x8x128xf32, #tpu.memory_space<vmem>>
    %dma_wait3A_1384 = arith.constant 0 : i32
    %dma_wait3A_1385 = arith.constant 8 : i32
    %dma_wait3A_1386 = tpu.memref_slice %arg3[%dma_wait3A_1384, %dma_wait3A_1385, %mul3A_269] : memref<6x16x20000xf32, #tpu.memory_space<any>> -> memref<6x8x128xf32, #tpu.memory_space<any>>
    tpu.wait_dma2 semaphore(%arg9 : memref<!tpu.dma_semaphore, #tpu.memory_space<semaphore_mem>>) src(%dma_wait3A_1386 : memref<6x8x128xf32, #tpu.memory_space<any>>) dst(%dma_wait3A_1383 : memref<6x8x128xf32, #tpu.memory_space<vmem>>)
    %dma_wait3A_1387 = arith.constant 10 : i32
    %dma_wait3A_1388 = arith.constant 0 : i32
    %dma_wait3A_1389 = arith.constant 0 : i32
    %dma_wait3A_1390 = arith.constant 0 : i32
    %dma_wait3A_1391 = tpu.memref_slice %arg6[%dma_wait3A_1388, %dma_wait3A_1387, %dma_wait3A_1389, %dma_wait3A_1390] : memref<6x16x8x128xf32, #tpu.memory_space<vmem>> -> memref<6x1x8x128xf32, #tpu.memory_space<vmem>>
    %dma_wait3A_1392 = tpu.memref_squeeze %dma_wait3A_1391 : memref<6x1x8x128xf32, #tpu.memory_space<vmem>> -> memref<6x8x128xf32, #tpu.memory_space<vmem>>
    %dma_wait3A_1393 = arith.constant 0 : i32
    %dma_wait3A_1394 = arith.constant 8 : i32
    %dma_wait3A_1395 = tpu.memref_slice %arg2[%dma_wait3A_1393, %dma_wait3A_1394, %mul3A_297] : memref<6x16x20000xf32, #tpu.memory_space<any>> -> memref<6x8x128xf32, #tpu.memory_space<any>>
    tpu.wait_dma2 semaphore(%arg8 : memref<!tpu.dma_semaphore, #tpu.memory_space<semaphore_mem>>) src(%dma_wait3A_1395 : memref<6x8x128xf32, #tpu.memory_space<any>>) dst(%dma_wait3A_1392 : memref<6x8x128xf32, #tpu.memory_space<vmem>>)
    %dma_wait3A_1396 = arith.constant 10 : i32
    %dma_wait3A_1397 = arith.constant 0 : i32
    %dma_wait3A_1398 = arith.constant 0 : i32
    %dma_wait3A_1399 = arith.constant 0 : i32
    %dma_wait3A_1400 = tpu.memref_slice %arg7[%dma_wait3A_1397, %dma_wait3A_1396, %dma_wait3A_1398, %dma_wait3A_1399] : memref<6x16x8x128xf32, #tpu.memory_space<vmem>> -> memref<6x1x8x128xf32, #tpu.memory_space<vmem>>
    %dma_wait3A_1401 = tpu.memref_squeeze %dma_wait3A_1400 : memref<6x1x8x128xf32, #tpu.memory_space<vmem>> -> memref<6x8x128xf32, #tpu.memory_space<vmem>>
    %dma_wait3A_1402 = arith.constant 0 : i32
    %dma_wait3A_1403 = arith.constant 8 : i32
    %dma_wait3A_1404 = tpu.memref_slice %arg3[%dma_wait3A_1402, %dma_wait3A_1403, %mul3A_297] : memref<6x16x20000xf32, #tpu.memory_space<any>> -> memref<6x8x128xf32, #tpu.memory_space<any>>
    tpu.wait_dma2 semaphore(%arg9 : memref<!tpu.dma_semaphore, #tpu.memory_space<semaphore_mem>>) src(%dma_wait3A_1404 : memref<6x8x128xf32, #tpu.memory_space<any>>) dst(%dma_wait3A_1401 : memref<6x8x128xf32, #tpu.memory_space<vmem>>)
    %dma_wait3A_1405 = arith.constant 11 : i32
    %dma_wait3A_1406 = arith.constant 0 : i32
    %dma_wait3A_1407 = arith.constant 0 : i32
    %dma_wait3A_1408 = arith.constant 0 : i32
    %dma_wait3A_1409 = tpu.memref_slice %arg6[%dma_wait3A_1406, %dma_wait3A_1405, %dma_wait3A_1407, %dma_wait3A_1408] : memref<6x16x8x128xf32, #tpu.memory_space<vmem>> -> memref<6x1x8x128xf32, #tpu.memory_space<vmem>>
    %dma_wait3A_1410 = tpu.memref_squeeze %dma_wait3A_1409 : memref<6x1x8x128xf32, #tpu.memory_space<vmem>> -> memref<6x8x128xf32, #tpu.memory_space<vmem>>
    %dma_wait3A_1411 = arith.constant 0 : i32
    %dma_wait3A_1412 = arith.constant 8 : i32
    %dma_wait3A_1413 = tpu.memref_slice %arg2[%dma_wait3A_1411, %dma_wait3A_1412, %mul3A_325] : memref<6x16x20000xf32, #tpu.memory_space<any>> -> memref<6x8x128xf32, #tpu.memory_space<any>>
    tpu.wait_dma2 semaphore(%arg8 : memref<!tpu.dma_semaphore, #tpu.memory_space<semaphore_mem>>) src(%dma_wait3A_1413 : memref<6x8x128xf32, #tpu.memory_space<any>>) dst(%dma_wait3A_1410 : memref<6x8x128xf32, #tpu.memory_space<vmem>>)
    %dma_wait3A_1414 = arith.constant 11 : i32
    %dma_wait3A_1415 = arith.constant 0 : i32
    %dma_wait3A_1416 = arith.constant 0 : i32
    %dma_wait3A_1417 = arith.constant 0 : i32
    %dma_wait3A_1418 = tpu.memref_slice %arg7[%dma_wait3A_1415, %dma_wait3A_1414, %dma_wait3A_1416, %dma_wait3A_1417] : memref<6x16x8x128xf32, #tpu.memory_space<vmem>> -> memref<6x1x8x128xf32, #tpu.memory_space<vmem>>
    %dma_wait3A_1419 = tpu.memref_squeeze %dma_wait3A_1418 : memref<6x1x8x128xf32, #tpu.memory_space<vmem>> -> memref<6x8x128xf32, #tpu.memory_space<vmem>>
    %dma_wait3A_1420 = arith.constant 0 : i32
    %dma_wait3A_1421 = arith.constant 8 : i32
    %dma_wait3A_1422 = tpu.memref_slice %arg3[%dma_wait3A_1420, %dma_wait3A_1421, %mul3A_325] : memref<6x16x20000xf32, #tpu.memory_space<any>> -> memref<6x8x128xf32, #tpu.memory_space<any>>
    tpu.wait_dma2 semaphore(%arg9 : memref<!tpu.dma_semaphore, #tpu.memory_space<semaphore_mem>>) src(%dma_wait3A_1422 : memref<6x8x128xf32, #tpu.memory_space<any>>) dst(%dma_wait3A_1419 : memref<6x8x128xf32, #tpu.memory_space<vmem>>)
    %dma_wait3A_1423 = arith.constant 12 : i32
    %dma_wait3A_1424 = arith.constant 0 : i32
    %dma_wait3A_1425 = arith.constant 0 : i32
    %dma_wait3A_1426 = arith.constant 0 : i32
    %dma_wait3A_1427 = tpu.memref_slice %arg6[%dma_wait3A_1424, %dma_wait3A_1423, %dma_wait3A_1425, %dma_wait3A_1426] : memref<6x16x8x128xf32, #tpu.memory_space<vmem>> -> memref<6x1x8x128xf32, #tpu.memory_space<vmem>>
    %dma_wait3A_1428 = tpu.memref_squeeze %dma_wait3A_1427 : memref<6x1x8x128xf32, #tpu.memory_space<vmem>> -> memref<6x8x128xf32, #tpu.memory_space<vmem>>
    %dma_wait3A_1429 = arith.constant 0 : i32
    %dma_wait3A_1430 = arith.constant 8 : i32
    %dma_wait3A_1431 = tpu.memref_slice %arg2[%dma_wait3A_1429, %dma_wait3A_1430, %mul3A_353] : memref<6x16x20000xf32, #tpu.memory_space<any>> -> memref<6x8x128xf32, #tpu.memory_space<any>>
    tpu.wait_dma2 semaphore(%arg8 : memref<!tpu.dma_semaphore, #tpu.memory_space<semaphore_mem>>) src(%dma_wait3A_1431 : memref<6x8x128xf32, #tpu.memory_space<any>>) dst(%dma_wait3A_1428 : memref<6x8x128xf32, #tpu.memory_space<vmem>>)
    %dma_wait3A_1432 = arith.constant 12 : i32
    %dma_wait3A_1433 = arith.constant 0 : i32
    %dma_wait3A_1434 = arith.constant 0 : i32
    %dma_wait3A_1435 = arith.constant 0 : i32
    %dma_wait3A_1436 = tpu.memref_slice %arg7[%dma_wait3A_1433, %dma_wait3A_1432, %dma_wait3A_1434, %dma_wait3A_1435] : memref<6x16x8x128xf32, #tpu.memory_space<vmem>> -> memref<6x1x8x128xf32, #tpu.memory_space<vmem>>
    %dma_wait3A_1437 = tpu.memref_squeeze %dma_wait3A_1436 : memref<6x1x8x128xf32, #tpu.memory_space<vmem>> -> memref<6x8x128xf32, #tpu.memory_space<vmem>>
    %dma_wait3A_1438 = arith.constant 0 : i32
    %dma_wait3A_1439 = arith.constant 8 : i32
    %dma_wait3A_1440 = tpu.memref_slice %arg3[%dma_wait3A_1438, %dma_wait3A_1439, %mul3A_353] : memref<6x16x20000xf32, #tpu.memory_space<any>> -> memref<6x8x128xf32, #tpu.memory_space<any>>
    tpu.wait_dma2 semaphore(%arg9 : memref<!tpu.dma_semaphore, #tpu.memory_space<semaphore_mem>>) src(%dma_wait3A_1440 : memref<6x8x128xf32, #tpu.memory_space<any>>) dst(%dma_wait3A_1437 : memref<6x8x128xf32, #tpu.memory_space<vmem>>)
    %dma_wait3A_1441 = arith.constant 13 : i32
    %dma_wait3A_1442 = arith.constant 0 : i32
    %dma_wait3A_1443 = arith.constant 0 : i32
    %dma_wait3A_1444 = arith.constant 0 : i32
    %dma_wait3A_1445 = tpu.memref_slice %arg6[%dma_wait3A_1442, %dma_wait3A_1441, %dma_wait3A_1443, %dma_wait3A_1444] : memref<6x16x8x128xf32, #tpu.memory_space<vmem>> -> memref<6x1x8x128xf32, #tpu.memory_space<vmem>>
    %dma_wait3A_1446 = tpu.memref_squeeze %dma_wait3A_1445 : memref<6x1x8x128xf32, #tpu.memory_space<vmem>> -> memref<6x8x128xf32, #tpu.memory_space<vmem>>
    %dma_wait3A_1447 = arith.constant 0 : i32
    %dma_wait3A_1448 = arith.constant 8 : i32
    %dma_wait3A_1449 = tpu.memref_slice %arg2[%dma_wait3A_1447, %dma_wait3A_1448, %mul3A_381] : memref<6x16x20000xf32, #tpu.memory_space<any>> -> memref<6x8x128xf32, #tpu.memory_space<any>>
    tpu.wait_dma2 semaphore(%arg8 : memref<!tpu.dma_semaphore, #tpu.memory_space<semaphore_mem>>) src(%dma_wait3A_1449 : memref<6x8x128xf32, #tpu.memory_space<any>>) dst(%dma_wait3A_1446 : memref<6x8x128xf32, #tpu.memory_space<vmem>>)
    %dma_wait3A_1450 = arith.constant 13 : i32
    %dma_wait3A_1451 = arith.constant 0 : i32
    %dma_wait3A_1452 = arith.constant 0 : i32
    %dma_wait3A_1453 = arith.constant 0 : i32
    %dma_wait3A_1454 = tpu.memref_slice %arg7[%dma_wait3A_1451, %dma_wait3A_1450, %dma_wait3A_1452, %dma_wait3A_1453] : memref<6x16x8x128xf32, #tpu.memory_space<vmem>> -> memref<6x1x8x128xf32, #tpu.memory_space<vmem>>
    %dma_wait3A_1455 = tpu.memref_squeeze %dma_wait3A_1454 : memref<6x1x8x128xf32, #tpu.memory_space<vmem>> -> memref<6x8x128xf32, #tpu.memory_space<vmem>>
    %dma_wait3A_1456 = arith.constant 0 : i32
    %dma_wait3A_1457 = arith.constant 8 : i32
    %dma_wait3A_1458 = tpu.memref_slice %arg3[%dma_wait3A_1456, %dma_wait3A_1457, %mul3A_381] : memref<6x16x20000xf32, #tpu.memory_space<any>> -> memref<6x8x128xf32, #tpu.memory_space<any>>
    tpu.wait_dma2 semaphore(%arg9 : memref<!tpu.dma_semaphore, #tpu.memory_space<semaphore_mem>>) src(%dma_wait3A_1458 : memref<6x8x128xf32, #tpu.memory_space<any>>) dst(%dma_wait3A_1455 : memref<6x8x128xf32, #tpu.memory_space<vmem>>)
    %dma_wait3A_1459 = arith.constant 14 : i32
    %dma_wait3A_1460 = arith.constant 0 : i32
    %dma_wait3A_1461 = arith.constant 0 : i32
    %dma_wait3A_1462 = arith.constant 0 : i32
    %dma_wait3A_1463 = tpu.memref_slice %arg6[%dma_wait3A_1460, %dma_wait3A_1459, %dma_wait3A_1461, %dma_wait3A_1462] : memref<6x16x8x128xf32, #tpu.memory_space<vmem>> -> memref<6x1x8x128xf32, #tpu.memory_space<vmem>>
    %dma_wait3A_1464 = tpu.memref_squeeze %dma_wait3A_1463 : memref<6x1x8x128xf32, #tpu.memory_space<vmem>> -> memref<6x8x128xf32, #tpu.memory_space<vmem>>
    %dma_wait3A_1465 = arith.constant 0 : i32
    %dma_wait3A_1466 = arith.constant 8 : i32
    %dma_wait3A_1467 = tpu.memref_slice %arg2[%dma_wait3A_1465, %dma_wait3A_1466, %mul3A_409] : memref<6x16x20000xf32, #tpu.memory_space<any>> -> memref<6x8x128xf32, #tpu.memory_space<any>>
    tpu.wait_dma2 semaphore(%arg8 : memref<!tpu.dma_semaphore, #tpu.memory_space<semaphore_mem>>) src(%dma_wait3A_1467 : memref<6x8x128xf32, #tpu.memory_space<any>>) dst(%dma_wait3A_1464 : memref<6x8x128xf32, #tpu.memory_space<vmem>>)
    %dma_wait3A_1468 = arith.constant 14 : i32
    %dma_wait3A_1469 = arith.constant 0 : i32
    %dma_wait3A_1470 = arith.constant 0 : i32
    %dma_wait3A_1471 = arith.constant 0 : i32
    %dma_wait3A_1472 = tpu.memref_slice %arg7[%dma_wait3A_1469, %dma_wait3A_1468, %dma_wait3A_1470, %dma_wait3A_1471] : memref<6x16x8x128xf32, #tpu.memory_space<vmem>> -> memref<6x1x8x128xf32, #tpu.memory_space<vmem>>
    %dma_wait3A_1473 = tpu.memref_squeeze %dma_wait3A_1472 : memref<6x1x8x128xf32, #tpu.memory_space<vmem>> -> memref<6x8x128xf32, #tpu.memory_space<vmem>>
    %dma_wait3A_1474 = arith.constant 0 : i32
    %dma_wait3A_1475 = arith.constant 8 : i32
    %dma_wait3A_1476 = tpu.memref_slice %arg3[%dma_wait3A_1474, %dma_wait3A_1475, %mul3A_409] : memref<6x16x20000xf32, #tpu.memory_space<any>> -> memref<6x8x128xf32, #tpu.memory_space<any>>
    tpu.wait_dma2 semaphore(%arg9 : memref<!tpu.dma_semaphore, #tpu.memory_space<semaphore_mem>>) src(%dma_wait3A_1476 : memref<6x8x128xf32, #tpu.memory_space<any>>) dst(%dma_wait3A_1473 : memref<6x8x128xf32, #tpu.memory_space<vmem>>)
    %dma_wait3A_1477 = arith.constant 15 : i32
    %dma_wait3A_1478 = arith.constant 0 : i32
    %dma_wait3A_1479 = arith.constant 0 : i32
    %dma_wait3A_1480 = arith.constant 0 : i32
    %dma_wait3A_1481 = tpu.memref_slice %arg6[%dma_wait3A_1478, %dma_wait3A_1477, %dma_wait3A_1479, %dma_wait3A_1480] : memref<6x16x8x128xf32, #tpu.memory_space<vmem>> -> memref<6x1x8x128xf32, #tpu.memory_space<vmem>>
    %dma_wait3A_1482 = tpu.memref_squeeze %dma_wait3A_1481 : memref<6x1x8x128xf32, #tpu.memory_space<vmem>> -> memref<6x8x128xf32, #tpu.memory_space<vmem>>
    %dma_wait3A_1483 = arith.constant 0 : i32
    %dma_wait3A_1484 = arith.constant 8 : i32
    %dma_wait3A_1485 = tpu.memref_slice %arg2[%dma_wait3A_1483, %dma_wait3A_1484, %mul3A_437] : memref<6x16x20000xf32, #tpu.memory_space<any>> -> memref<6x8x128xf32, #tpu.memory_space<any>>
    tpu.wait_dma2 semaphore(%arg8 : memref<!tpu.dma_semaphore, #tpu.memory_space<semaphore_mem>>) src(%dma_wait3A_1485 : memref<6x8x128xf32, #tpu.memory_space<any>>) dst(%dma_wait3A_1482 : memref<6x8x128xf32, #tpu.memory_space<vmem>>)
    %dma_wait3A_1486 = arith.constant 15 : i32
    %dma_wait3A_1487 = arith.constant 0 : i32
    %dma_wait3A_1488 = arith.constant 0 : i32
    %dma_wait3A_1489 = arith.constant 0 : i32
    %dma_wait3A_1490 = tpu.memref_slice %arg7[%dma_wait3A_1487, %dma_wait3A_1486, %dma_wait3A_1488, %dma_wait3A_1489] : memref<6x16x8x128xf32, #tpu.memory_space<vmem>> -> memref<6x1x8x128xf32, #tpu.memory_space<vmem>>
    %dma_wait3A_1491 = tpu.memref_squeeze %dma_wait3A_1490 : memref<6x1x8x128xf32, #tpu.memory_space<vmem>> -> memref<6x8x128xf32, #tpu.memory_space<vmem>>
    %dma_wait3A_1492 = arith.constant 0 : i32
    %dma_wait3A_1493 = arith.constant 8 : i32
    %dma_wait3A_1494 = tpu.memref_slice %arg3[%dma_wait3A_1492, %dma_wait3A_1493, %mul3A_437] : memref<6x16x20000xf32, #tpu.memory_space<any>> -> memref<6x8x128xf32, #tpu.memory_space<any>>
    tpu.wait_dma2 semaphore(%arg9 : memref<!tpu.dma_semaphore, #tpu.memory_space<semaphore_mem>>) src(%dma_wait3A_1494 : memref<6x8x128xf32, #tpu.memory_space<any>>) dst(%dma_wait3A_1491 : memref<6x8x128xf32, #tpu.memory_space<vmem>>)
    %iota3A_1495 = tpu.iota {dimensions = array<i32: 2>} : vector<1x16x8x128xi32>
    %iota3A_1496 = tpu.iota {dimensions = array<i32: 3>} : vector<1x16x8x128xi32>
    %jit3A_1497 = arith.constant 8 : i32
    %eq3A_1498 = arith.constant 0 : i32
    %eq3A_1499 = arith.cmpi eq, %jit3A_1497, %eq3A_1498 : i32
    %jit3A_1500 = arith.constant 1 : i32
    %select_n3A_1501 = arith.select %eq3A_1499, %jit3A_1500, %jit3A_1497 : i32
    %rem3A_1502 = vector.broadcast %select_n3A_1501 : i32 to vector<1x16x1x1xi32>
    %rem3A_1503 = arith.remsi %iota3A, %rem3A_1502 : vector<1x16x1x1xi32>
    %ne3A_1504 = arith.constant 0 : i32
    %ne3A_1505 = vector.broadcast %ne3A_1504 : i32 to vector<1x16x1x1xi32>
    %ne3A_1506 = arith.cmpi ne, %rem3A_1503, %ne3A_1505 : vector<1x16x1x1xi32>
    %lt3A_1507 = arith.constant 0 : i32
    %lt3A_1508 = vector.broadcast %lt3A_1507 : i32 to vector<1x16x1x1xi32>
    %lt3A_1509 = arith.cmpi slt, %rem3A_1503, %lt3A_1508 : vector<1x16x1x1xi32>
    %lt3A_1510 = arith.constant 0 : i32
    %lt3A_1511 = arith.cmpi slt, %select_n3A_1501, %lt3A_1510 : i32
    %ne3A_1512 = vector.broadcast %lt3A_1511 : i1 to vector<1x16x1x1xi1>
    %ne3A_1513 = vector.broadcast %ne3A_1512 : vector<1x16x1x1xi1> to vector<1x16x1x1xi1>
    %ne3A_1514 = arith.xori %lt3A_1509, %ne3A_1513 : vector<1x16x1x1xi1>
    %and3A_1515 = arith.andi %ne3A_1514, %ne3A_1506 : vector<1x16x1x1xi1>
    %add3A_1516 = vector.broadcast %select_n3A_1501 : i32 to vector<1x16x1x1xi32>
    %add3A_1517 = arith.addi %rem3A_1503, %add3A_1516 : vector<1x16x1x1xi32>
    %select_n3A_1518 = arith.select %and3A_1515, %add3A_1517, %rem3A_1503 : vector<1x16x1x1xi1>, vector<1x16x1x1xi32>
    %eq3A_1519 = vector.broadcast %select_n3A_1518 : vector<1x16x1x1xi32> to vector<1x16x8x128xi32>
    %eq3A_1520 = arith.cmpi eq, %iota3A_1495, %eq3A_1519 : vector<1x16x8x128xi32>
    %eq3A_1521 = vector.broadcast %select_n3A_1199 : vector<1x16x1x1xi32> to vector<1x16x8x128xi32>
    %eq3A_1522 = arith.cmpi eq, %iota3A_1496, %eq3A_1521 : vector<1x16x8x128xi32>
    %and3A_1523 = arith.andi %eq3A_1520, %eq3A_1522 : vector<1x16x8x128xi1>
    %get3A_1524 = arith.constant 0 : index
    %get3A_1525 = arith.constant 0 : index
    %get3A_1526 = arith.constant 0 : index
    %get3A_1527 = arith.constant 0 : index
    %get3A_1528 = vector.load %arg6[%get3A_1524, %get3A_1525, %get3A_1526, %get3A_1527] : memref<6x16x8x128xf32, #tpu.memory_space<vmem>>, vector<6x16x8x128xf32>
    %jit3A_1529 = arith.constant 0.000000e+00 : f32
    %broadcast_in_dim3A_1530 = vector.shape_cast %and3A_1523 : vector<1x16x8x128xi1> to vector<1x16x8x128xi1>
    %broadcast_in_dim3A_1531 = vector.broadcast %broadcast_in_dim3A_1530 : vector<1x16x8x128xi1> to vector<6x16x8x128xi1>
    %broadcast_in_dim3A_1532 = vector.broadcast %jit3A_1529 : f32 to vector<6x16x8x128xf32>
    %select_n3A_1533 = arith.select %broadcast_in_dim3A_1531, %get3A_1528, %broadcast_in_dim3A_1532 : vector<6x16x8x128xi1>, vector<6x16x8x128xf32>
    %reduce_sum3A = arith.constant dense<0.000000e+00> : vector<6x16x8xf32>
    %reduce_sum3A_1534 = vector.multi_reduction <add>, %select_n3A_1533, %reduce_sum3A [3] : vector<6x16x8x128xf32> to vector<6x16x8xf32>
    %reduce_sum3A_1535 = arith.constant dense<0.000000e+00> : vector<6x16xf32>
    %reduce_sum3A_1536 = vector.multi_reduction <add>, %reduce_sum3A_1534, %reduce_sum3A_1535 [2] : vector<6x16x8xf32> to vector<6x16xf32>
    %mul3A_1537 = arith.constant 1.000000e-01 : f32
    %mul3A_1538 = vector.broadcast %mul3A_1537 : f32 to vector<6x16xf32>
    %mul3A_1539 = arith.mulf %reduce_sum3A_1536, %mul3A_1538 : vector<6x16xf32>
    %get3A_1540 = arith.constant 0 : index
    %get3A_1541 = arith.constant 0 : index
    %get3A_1542 = arith.constant 0 : index
    %get3A_1543 = arith.constant 0 : index
    %get3A_1544 = vector.load %arg7[%get3A_1540, %get3A_1541, %get3A_1542, %get3A_1543] : memref<6x16x8x128xf32, #tpu.memory_space<vmem>>, vector<6x16x8x128xf32>
    %jit3A_1545 = arith.constant 0.000000e+00 : f32
    %broadcast_in_dim3A_1546 = vector.shape_cast %and3A_1523 : vector<1x16x8x128xi1> to vector<1x16x8x128xi1>
    %broadcast_in_dim3A_1547 = vector.broadcast %broadcast_in_dim3A_1546 : vector<1x16x8x128xi1> to vector<6x16x8x128xi1>
    %broadcast_in_dim3A_1548 = vector.broadcast %jit3A_1545 : f32 to vector<6x16x8x128xf32>
    %select_n3A_1549 = arith.select %broadcast_in_dim3A_1547, %get3A_1544, %broadcast_in_dim3A_1548 : vector<6x16x8x128xi1>, vector<6x16x8x128xf32>
    %reduce_sum3A_1550 = arith.constant dense<0.000000e+00> : vector<6x16x8xf32>
    %reduce_sum3A_1551 = vector.multi_reduction <add>, %select_n3A_1549, %reduce_sum3A_1550 [3] : vector<6x16x8x128xf32> to vector<6x16x8xf32>
    %reduce_sum3A_1552 = arith.constant dense<0.000000e+00> : vector<6x16xf32>
    %reduce_sum3A_1553 = vector.multi_reduction <add>, %reduce_sum3A_1551, %reduce_sum3A_1552 [2] : vector<6x16x8xf32> to vector<6x16xf32>
    %slice3A = vector.extract_strided_slice %reduce_sum3A_1553 {offsets = [0, 0], sizes = [3, 16], strides = [1, 1]} : vector<6x16xf32> to vector<3x16xf32>
    %slice3A_1554 = vector.extract_strided_slice %reduce_sum3A_1553 {offsets = [3, 0], sizes = [3, 16], strides = [1, 1]} : vector<6x16xf32> to vector<3x16xf32>
    %sub3A_1555 = arith.subf %slice3A_1554, %slice3A : vector<3x16xf32>
    %mul3A_1556 = arith.constant 5.000000e-01 : f32
    %mul3A_1557 = vector.broadcast %mul3A_1556 : f32 to vector<3x16xf32>
    %mul3A_1558 = arith.mulf %mul3A_1557, %sub3A_1555 : vector<3x16xf32>
    %add3A_1559 = arith.addf %slice3A, %mul3A_1558 : vector<3x16xf32>
    %slice3A_1560 = vector.extract_strided_slice %mul3A_1539 {offsets = [3, 0], sizes = [3, 16], strides = [1, 1]} : vector<6x16xf32> to vector<3x16xf32>
    %exp3A = math.exp %slice3A_1560 : vector<3x16xf32>
    %mul3A_1561 = arith.mulf %exp3A, %sub3A_1555 : vector<3x16xf32>
    %slice3A_1562 = vector.extract_strided_slice %mul3A_1539 {offsets = [0, 0], sizes = [3, 16], strides = [1, 1]} : vector<6x16xf32> to vector<3x16xf32>
    %mul3A_1563 = arith.mulf %slice3A_1562, %sub3A_1555 : vector<3x16xf32>
    %add3A_1564 = arith.addf %mul3A_1563, %add3A_1559 : vector<3x16xf32>
    %mul3A_1565 = arith.constant 5.000000e-01 : f32
    %mul3A_1566 = vector.broadcast %mul3A_1565 : f32 to vector<3x16xf32>
    %mul3A_1567 = arith.mulf %mul3A_1566, %mul3A_1561 : vector<3x16xf32>
    %sub3A_1568 = arith.subf %add3A_1564, %mul3A_1567 : vector<3x16xf32>
    %max3A = arith.constant 0.000000e+00 : f32
    %max3A_1569 = vector.broadcast %max3A : f32 to vector<3x16xf32>
    %max3A_1570 = arith.maximumf %sub3A_1568, %max3A_1569 : vector<3x16xf32>
    %iota3A_1571 = tpu.iota {dimensions = array<i32: 0>} : vector<3x16xi32>
    %eq3A_1572 = arith.constant 0 : i32
    %eq3A_1573 = vector.broadcast %eq3A_1572 : i32 to vector<3x16xi32>
    %eq3A_1574 = arith.cmpi eq, %iota3A_1571, %eq3A_1573 : vector<3x16xi32>
    %jit3A_1575 = arith.constant 6.300000e+01 : f32
    %jit3A_1576 = arith.constant 2.550000e+02 : f32
    %broadcast_in_dim3A_1577 = vector.broadcast %jit3A_1575 : f32 to vector<3x16xf32>
    %broadcast_in_dim3A_1578 = vector.broadcast %jit3A_1576 : f32 to vector<3x16xf32>
    %select_n3A_1579 = arith.select %eq3A_1574, %broadcast_in_dim3A_1577, %broadcast_in_dim3A_1578 : vector<3x16xi1>, vector<3x16xf32>
    %mul3A_1580 = arith.constant 5.000000e-01 : f32
    %mul3A_1581 = vector.broadcast %mul3A_1580 : f32 to vector<3x16xf32>
    %mul3A_1582 = arith.mulf %mul3A_1581, %mul3A_1561 : vector<3x16xf32>
    %add3A_1583 = arith.addf %add3A_1564, %mul3A_1582 : vector<3x16xf32>
    %min3A = arith.minimumf %add3A_1583, %select_n3A_1579 : vector<3x16xf32>
    %swap3A_1584 = arith.constant 0 : index
    %swap3A_1585 = arith.constant 0 : index
    %swap3A_1586 = vector.load %arg5[%swap3A_1584, %swap3A_1585] : memref<6x16xf32, #tpu.memory_space<vmem>>, vector<3x16xf32>
    tpu.vector_store %arg5[%swap3A_1584, %swap3A_1585], %max3A_1570 {strides = array<i32>} : memref<6x16xf32, #tpu.memory_space<vmem>>, vector<3x16xf32>,
    %swap3A_1587 = arith.constant 3 : index
    %swap3A_1588 = arith.constant 0 : index
    %swap3A_1589 = vector.load %arg5[%swap3A_1587, %swap3A_1588] : memref<6x16xf32, #tpu.memory_space<vmem>>, vector<3x16xf32>
    tpu.vector_store %arg5[%swap3A_1587, %swap3A_1588], %min3A {strides = array<i32>} : memref<6x16xf32, #tpu.memory_space<vmem>>, vector<3x16xf32>,
    return
  }
}

</mosaic_0001>

<sc_bundles>
// kernel: _run.4.cloned.1.call-start
scs
__scs_entry_jumppad:
0x0: {  	(pc) =	sbr.rel $0x88, $3  }
0x1: {  	(tag) =	ssettag $0x0;
	lr =	simm.s32 $0x1  }
0x2: {  	[smem:$0x3F9E] =	sst lr;
	_ =	strace $0xD0000000  }
0x3: {  	_ = 	snop  }
0x4: {  	_ = 	snop  }
0x5: {  	_ = 	snop  }
0x6: {  	_ = 	snop  }
0x7: {  	_ = 	snop  }
__scs_overlays_trampoline_lowered:
0x8: {  	[smem:$0x3FAD] =	sst s0  }
0x9: {  	[smem:$0x3FAE] =	sst s1  }
0xa: {  	[smem:$0x3FAF] =	sst s2  }
0xb: {  	[smem:$0x3FB0] =	sst s3  }
0xc: {  	[smem:$0x3FB1] =	sst s4  }
0xd: {  	[smem:$0x3FB2] =	sst s5  }
0xe: {  	[smem:$0x3FB3] =	sst s6  }
0xf: {  	[smem:$0x3FB4] =	sst s7  }
0x10: {  	[smem:$0x3FB5] =	sst s8  }
0x11: {  	[smem:$0x3FB6] =	sst s9;
	s0 =	simm.s32 @!p0 $0x0  }
0x12: {  	s1 =	sld [smem:$0x3F9C];
	s0 =	simm.s32 @p0 $0x1  }
0x13: {  	[smem:$0x3FB7] =	sst s0;
	s0 =	simm.s32 @!p1 $0x0  }
0x14: {  	s2 =	sld [smem:$0x3F9B];
	s0 =	simm.s32 @p1 $0x1  }
0x15: {  	[smem:$0x3FB8] =	sst s0;
	s0 =	simm.s32 @!p2 $0x0  }
0x16: {  	s3 =	sld [smem:$0x3FDB];
	s0 =	simm.s32 @p2 $0x1  }
0x17: {  	s4 =	simm.s32 $0x1BF5;
	[smem:$0x3FBA] =	sst s0  }
0x18: {  	s0 =	sld [smem:$0x3F9D];
	_ =	swait.ge [sflag:s4], $0x0  }
0x19: {  	s7 =	sld [smem:$0x3F9E]  }
0x1a: {  	s8 =	sadd.s32 $0xFFFFE003, lr  }
0x1b: {  	s9 =	sadd.s32 $0xFFFFFEF7, lr;
	s5 =	simm.s32 $0xFFFFFFFF;
	p2 =	slt.u32 s8, $0xFFFFF086  }
0x1c: {  	p1 =	slt.u32 s9, $0xF7A;
	s5 =	simm.s32 @!p2 $0x0  }
0x1d: {  	s5 =	simm.s32 @p1 $0x1;
	p0 =	seq.s32 s7, s2  }
0x1e: {  	s7 =	smul.u32 @!p0 $0xF7A, s2;
	p2 =	seq.s32 @!p0 s5, $0x0  }
0x1f: {  	s9 =	smul.u32 $0xF7A, s1;
	s8 =	simm.s32 @!p0 $0x1BF5;
	p2 =	por !p2, p0  }
0x20: {  	[sflag:s8] =	ssyncset.s32 @!p0 $0xFFFFF086;
	s6 =	sadd.s32 @!p0 s3, s7;
	s7 =	simm.s32 @!p0 $0x108  }
0x21: {  	s3 =	sadd.s32 s3, s9;
	s6 =	sadd.s32 @!p0 $0x88, s6;
	s7 =	simm.s32 @p2 $0x1082  }
0x22: {  	[simem:s7], [sflag:s8] =	dma.local @!p0 [hbm:s6], $0xF7A  }
0x23: {  	s9 =	sor.u32 $0xD0000000, s2;
	s6 =	simm.s32 $0x108;
	_ =	swait.ge @!p0 [sflag:s8], $0x0  }
0x24: {  	s3 =	sadd.s32 $0x88, s3;
	s6 =	simm.s32 @!p1 $0x1082;
	[sflag:s4] =	ssyncset.s32 $0xFFFFF086  }
0x25: {  	[simem:s6], [sflag:s4] =	dma.local [hbm:s3], $0xF7A  }
0x26: {  	[smem:$0x3F9E] =	sst s1;
	(tag) =	ssettag s2;
	_ =	strace s9  }
0x27: {  	s1 =	sld [smem:$0x3FAE]  }
0x28: {  	s2 =	sld [smem:$0x3FAF]  }
0x29: {  	s4 =	sld [smem:$0x3FB1]  }
0x2a: {  	p0 =	seq.s32 s5, $0x0;
	s5 =	sld [smem:$0x3FB2]  }
0x2b: {  	s6 =	sld [smem:$0x3FB3]  }
0x2c: {  	s7 =	sld [smem:$0x3FB4]  }
0x2d: {  	s3 =	simm.s32 $0x108;
	s8 =	sld [smem:$0x3FB5]  }
0x2e: {  	s3 =	simm.s32 @!p0 $0x1082;
	s9 =	sld [smem:$0x3FB6]  }
0x2f: {  	lr =	sadd.s32 s0, s3;
	s0 =	sld [smem:$0x3FAD]  }
0x30: {  	s3 =	sld [smem:$0x3FB0]  }
0x31: {  	[smem:$0x3FB9] =	sst s10  }
0x32: {  	s10 =	sld [smem:$0x3FB7];
	_ =	sdelay $0x3  }
0x33: {  	p0 =	seq.s32 s10, $0x1;
	s10 =	sld [smem:$0x3FB9];
	_ =	sdelay $0x3  }
0x34: {  	[smem:$0x3FB9] =	sst s10  }
0x35: {  	s10 =	sld [smem:$0x3FB8];
	_ =	sdelay $0x3  }
0x36: {  	p1 =	seq.s32 s10, $0x1;
	s10 =	sld [smem:$0x3FB9];
	_ =	sdelay $0x3  }
0x37: {  	[smem:$0x3FB9] =	sst s10  }
0x38: {  	s10 =	sld [smem:$0x3FBA]  }
0x39: {  	_ = 	snop;
	(pc) =	sbr.ind lr, $3  }
0x3a: {  	_ = 	snop  }
0x3b: {  	_ = 	snop  }
0x3c: {  	p2 =	seq.s32 s10, $0x1;
	s10 =	sld [smem:$0x3FB9]  }
0x3d: {  	_ =	shalt  }
0x3e: {  	_ =	shalt  }
0x3f: {  	_ =	shalt  }
0x40: {  	_ =	shalt  }
0x41: {  	_ =	shalt  }
0x42: {  	_ =	shalt  }
0x43: {  	_ =	shalt  }
0x44: {  	_ =	shalt  }
0x45: {  	_ =	shalt  }
0x46: {  	_ =	shalt  }
0x47: {  	_ =	shalt  }
0x48: {  	_ =	shalt  }
0x49: {  	_ =	shalt  }
0x4a: {  	_ =	shalt  }
0x4b: {  	_ =	shalt  }
0x4c: {  	_ =	shalt  }
0x4d: {  	_ =	shalt  }
0x4e: {  	_ =	shalt  }
0x4f: {  	_ =	shalt  }
0x50: {  	_ =	shalt  }
0x51: {  	_ =	shalt  }
0x52: {  	_ =	shalt  }
0x53: {  	_ =	shalt  }
0x54: {  	_ =	shalt  }
0x55: {  	_ =	shalt  }
0x56: {  	_ =	shalt  }
0x57: {  	_ =	shalt  }
0x58: {  	_ =	shalt  }
0x59: {  	_ =	shalt  }
0x5a: {  	_ =	shalt  }
0x5b: {  	_ =	shalt  }
0x5c: {  	_ =	shalt  }
0x5d: {  	_ =	shalt  }
0x5e: {  	_ =	shalt  }
0x5f: {  	_ =	shalt  }
0x60: {  	_ =	shalt  }
0x61: {  	_ =	shalt  }
0x62: {  	_ =	shalt  }
0x63: {  	_ =	shalt  }
0x64: {  	_ =	shalt  }
0x65: {  	_ =	shalt  }
0x66: {  	_ =	shalt  }
0x67: {  	_ =	shalt  }
0x68: {  	_ =	shalt  }
0x69: {  	_ =	shalt  }
0x6a: {  	_ =	shalt  }
0x6b: {  	_ =	shalt  }
0x6c: {  	_ =	shalt  }
0x6d: {  	_ =	shalt  }
0x6e: {  	_ =	shalt  }
0x6f: {  	_ =	shalt  }
0x70: {  	_ =	shalt  }
0x71: {  	_ =	shalt  }
0x72: {  	_ =	shalt  }
0x73: {  	_ =	shalt  }
0x74: {  	_ =	shalt  }
0x75: {  	_ =	shalt  }
0x76: {  	_ =	shalt  }
0x77: {  	_ =	shalt  }
0x78: {  	_ =	shalt  }
0x79: {  	_ =	shalt  }
0x7a: {  	_ =	shalt  }
0x7b: {  	_ =	shalt  }
0x7c: {  	_ =	shalt  }
0x7d: {  	_ =	shalt  }
0x7e: {  	_ =	shalt  }
0x7f: {  	_ =	shalt  }
0x80: {  	_ =	shalt  }
0x81: {  	_ =	shalt  }
0x82: {  	_ =	shalt  }
0x83: {  	_ =	shalt  }
0x84: {  	_ =	shalt  }
0x85: {  	_ =	shalt  }
0x86: {  	_ =	shalt  }
0x87: {  	_ =	shalt  }
.Lfunc_end0:
.L_simem_size_0:
called_computation_lowered:
.L_overlay_start_0:
0x88: {  	s2 =	sld [smem:$0x3FD9]  }
0x89: {  	s3 =	sld [smem:$0x3FFE];
	_ =	sdelay $0x1  }
0x8a: {  	s1 =	srdreg.scid  }
0x8b: {  	s0 =	sand.u32 $0x1, s1  }
0x8c: {  	s14 =	sshll.u32 s0, $0xA;
	s2 =	sadd.s32 s3, s2  }
0x8d: {  	s2 =	sadd.s32 s2, s14  }
0x8e: {  	[smem:$0x3FC5] =	sst s2  }
0x8f: {  	_ = 	snop  }
0x90: {  	s2 =	sld [smem:$0x3FD0];
	_ =	sdelay $0x2  }
0x91: {  	s4 =	simm.s32 $0xA;
	s5 =	simm.s32 $0x10;
	s15 =	sld [smem:$0x3FC9]  }
0x92: {  	[smem:s5], [sflag:s4] =	dma.local [hbm:s2], $0x1  }
0x93: {  	_ =	swait.eq [sflag:s4], $0x1  }
0x94: {  	[sflag:s4] =	ssyncset.done $0x0  }
0x95: {  	[sflag:s4] =	ssyncadd.s32 $0xFFFFFFFF  }
0x96: {  	s16 =	sld [smem:$0x11];
	(tm) =	ssettm $0x1  }
0x97: {  	s17 =	sld [smem:$0x3FFB];
	_ =	sdelay $0x3  }
0x98: {  	_ =	strace s17  }
0x99: {  	s4 =	sld [smem:$0x3FFC];
	_ =	sdelay $0x3  }
0x9a: {  	_ =	strace s4  }
0x9b: {  	s4 =	sld [smem:$0x3FFD];
	_ =	sdelay $0x3  }
0x9c: {  	_ =	strace s4  }
0x9d: {  	_ =	strace $0x8FFFFFFF  }
0x9e: {  	s18 =	sld [smem:$0x3FDB];
	_ =	sdelay $0x1  }
0x9f: {  	s19 =	simm.s32 $_scs_section_size  }
0xa0: {  	s6 =	simm.s32 $_size__tile_overlayer_lowered;
	s7 =	simm.s32 $_tile_overlayer_lowered  }
0xa1: {  	s22 =	simm.s32 $0x1BFF;
	s21 =	sshll.u32 s7, $0x1;
	s4 =	sadd.s32 s19, s18  }
0xa2: {  	s8 =	simm.s32 $0x0;
	s20 =	sshll.u32 s6, $0x1;
	s6 =	sadd.s32 s21, s4  }
0xa3: {  	[timem:s8], [sflag:s22] =	dma.local [hbm:s6], s20  }
0xa4: {  	_ =	swait.ge [sflag:s22], s20  }
0xa5: {  	s5 =	ssub.s32 $0x0, s20;
	[sflag:s22] =	ssyncset.done $0x0  }
0xa6: {  	[sflag:s22] =	ssyncadd.s32 s5;
	_ =	sdelay $0x1  }
0xa7: {  	s23 =	simm.s32 $0x1B8B  }
0xa8: {  	_ =	swait.ge [sflag:s23], $0x1  }
0xa9: {  	[sflag:s23] =	ssyncset.done $0x0  }
0xaa: {  	s25 =	simm.s32 $0x1B8E;
	s24 =	sld [smem:$0x3FFE];
	[sflag:s23] =	ssyncadd.s32 $0xFFFFFFFF  }
0xab: {  	s26 =	simm.s32 $execute0_lowered;
	[smem:$0x3FD2] =	sst s25  }
0xac: {  	s6 =	sshll.u32 s26, $0x1;
	_ =	strace $0x80000046;
	[dreg:$0x1] =	wrdreg $0xFFFFFFFF  }
0xad: {  	s28 =	simm.s32 $_size_execute0_lowered;
	s4 =	sadd.s32 s4, s6;
	[dreg:$0x0] =	wrdreg $0x0  }
0xae: {  	s6 =	sshll.u32 s28, $0x1;
	[dreg:$0x2] =	wrdreg s4  }
0xaf: {  	[dreg:$0x3] =	wrdreg s6  }
0xb0: {  	[dreg:$0x4] =	wrdreg $0xC0  }
0xb1: {  	_ =	task [dreg:s8], $0x5FFFF  }
0xb2: {  	[dreg:$0x1] =	wrdreg $0xFFFFFFFF  }
0xb3: {  	[dreg:$0x0] =	wrdreg $0x60  }
0xb4: {  	[dreg:$0x2] =	wrdreg s15  }
0xb5: {  	[dreg:$0x3] =	wrdreg s16  }
0xb6: {  	[dreg:$0x4] =	wrdreg s24  }
0xb7: {  	[dreg:$0x5] =	wrdreg $0x28800  }
0xb8: {  	[dreg:$0x6] =	wrdreg $0x28900  }
0xb9: {  	[dreg:$0x7] =	wrdreg $0x9  }
0xba: {  	_ =	task.clear_ibuf [dreg:s8], $0x8FFFF;
	_ =	strace $0x90000046  }
0xbb: {  	s29 =	simm.s32 $0x9;
	_ =	strace $0x80000048  }
0xbc: {  	_ =	swait.ge [sflag:s29], $0x1  }
0xbd: {  	[sflag:s29] =	ssyncadd.s32 $0xFFFFFFFF  }
0xbe: {  	_ =	strace $0x90000048  }
0xbf: {  	_ =	sfence  }
0xc0: {  	s30 =	sld [smem:$0x0];
	_ =	sdelay $0x2  }
0xc1: {  	s31 =	sshll.u32 s1, $0xD;
	s1 =	sshrl.u32 s1, $0x2  }
0xc2: {  	s3 =	sand.u32 $0x4000, s31;
	s1 =	sadd.s32 s1, s30  }
0xc3: {  	s0 =	sor.u32 s3, s0;
	s1 =	sshll.u32 s1, $0x11  }
0xc4: {  	s0 =	sor.u32 s1, s0  }
0xc5: {  	s0 =	sadd.s32 $0x8F2B, s0  }
0xc6: {  	[sflag:s0] =	ssyncadd.remote.s32 $0x1  }
0xc7: {  	_ =	sfence.sel $0xFFFF  }
0xc8: {  	[dreg:$0x0] =	wrdreg $0xFFFFFFFF;
	(pc) =	sbr.abs _section_cstart, $3  }
0xc9: {  	[dreg:$0x1] =	wrdreg $0xFFFFFFFF  }
0xca: {  	_ =	task.clear_ibuf [dreg:s8], $0x2FFFF;
	_ =	strace $0x9FFFFFFF  }
0xcb: {  	(tm) =	ssettm $0x7FFFFFFF  }
tec
execute0_lowered:
.L_overlay_start_1:
0x0: {  	(tag) =	ssettag $0x1  }
0x1: {  	s6 =	rddreg [dreg:$0x0]  }
0x2: {  	s10 =	rddreg [dreg:$0x1]  }
0x3: {  	s7 =	rddreg [dreg:$0x2]  }
0x4: {  	s2 =	rddreg [dreg:$0x3]  }
0x5: {  	s3 =	rddreg [dreg:$0x4];
	s1 =	stileid.u32  }
0x6: {  	s0 =	rddreg [dreg:$0x5];
	s4 =	srdreg.scid  }
0x7: {  	s5 =	sshll.u32 s1, $0x1;
	s8 =	sand.u32 $0x1, s4;
	s9 =	sshrl.u32 s1, $0x3  }
0x8: {  	s4 =	simm.s32 $0x0;
	s30 =	sshll.u32 s1, $0x2;
	p0 =	sgt.u32 s1, $0x7  }
0x9: {  	s11 =	sand.u32 $0xE, s5;
	s5 =	smul.u32 $0x2710, s9;
	[smem:$0x7FF] =	sst s4  }
0xa: {  	s12 =	sshll.u32 s8, $0x1;
	s29 =	sor.u32 s8, s11;
	_ =	strace $0x80000047  }
0xb: {  	s11 =	sor.u32 s12, s30;
	s8 =	ssub.s32 $0x2, s8;
	s9 =	smul.u32 $0x4E20, s29  }
0xc: {  	s12 =	sadd.s32 s11, s7;
	s31 =	sshrl.u32 s8, $0x1;
	s14 =	sadd.s32 $0x10, s5  }
0xd: {  	s15 =	sadd.s32 $0x20, s5;
	s16 =	sadd.s32 $0x30, s5;
	s7 =	sshll.u32 s1, $0x4  }
0xe: {  	s17 =	sadd.s32 $0x40, s5;
	s10 =	sadd.s32 s10, s11;
	s13 =	ssub.s32 s8, s31  }
0xf: {  	v0 =	vlaneseq.u32;
	s8 =	sadd.s32 s7, s2;
	s11 =	sor.u32 $0x80, s7;
	s12 =	sadd.s32 $0x1200, s12  }
0x10: {  	v2 =	vor.u32 s14, v0;
	s14 =	simm.s32 $0x1;
	v3 =	vor.u32 s15, v0;
	s15 =	simm.s32 $0x2780;
	s9 =	sadd.s32 s5, s9  }
0x11: {  	v4 =	vor.u32 s16, v0;
	v5 =	vor.u32 s17, v0;
	s16 =	simm.s32 $0x2800;
	s17 =	simm.s32 $0x0;
	s9 =	sshrl.u32 s9, $0x3  }
0x12: {  	v1 =	vor.u32 s5, v0;
	s13 =	smax.u32 s13, $0x1;
	s6 =	sadd.s32 s6, s9;
	s9 =	sadd.s32 s7, s3  }
.LBB2_1:
0x13: {  	[tilespmem:s4], [sflag:$0x1] =	stream.linear.gather [hbm4b:s6+s4], $0x2710, $0x38;
	[tilespmem:$0x2BA0] =	vst v63  }
0x14: {  	_ =	swait.ge [sflag:s14], $0x2710  }
0x15: {  	[sflag:s14] =	ssyncset.done $0x0  }
0x16: {  	[sflag:s14] =	ssyncadd.s32 $0xFFFFD8F0  }
0x17: {  	v6 =	vld [tilespmem:$0x0]  }
0x18: {  	v8 =	vld [tilespmem:$0x10]  }
0x19: {  	v10 =	vld [tilespmem:$0x20]  }
0x1a: {  	v11 =	vld [tilespmem:$0x30]  }
0x1b: {  	s18 =	simm.s32 $0x90;
	v12 =	vld [tilespmem:$0x40]  }
0x1c: {  	v9 =	vld [tilespmem:s18+$0xFFFFFFC0]  }
0x1d: {  	v14 =	vld [tilespmem:s18+$0xFFFFFFD0]  }
0x1e: {  	v20 =	vld [tilespmem:s18+$0xFFFFFFE0]  }
0x1f: {  	s19 =	sadd.s32 $0x0, s5;
	v21 =	vld [tilespmem:s18+$0xFFFFFFF0]  }
0x20: {  	s20 =	sadd.s32 $0x50, s19;
	v22 =	vld [tilespmem:s18+$0x0]  }
0x21: {  	s29 =	sadd.s32 $0x60, s19;
	s30 =	sadd.s32 $0x70, s19;
	s21 =	sadd.s32 $0x80, s19;
	v15 =	vor.u32 s20, v0  }
0x22: {  	s31 =	sadd.s32 $0x90, s19;
	s19 =	simm.s32 $0xE0;
	v23 =	vor.u32 s29, v0;
	v24 =	vor.u32 s30, v0;
	v25 =	vor.u32 s21, v0  }
0x23: {  	v7 =	vor.u32 s31, v0;
	v19 =	vld [tilespmem:s19+$0xFFFFFFC0];
	vm0 =	vgt.f32 v9, v6;
	vm1 =	vgt.f32 v14, v8  }
0x24: {  	v13 =	vld [tilespmem:s19+$0xFFFFFFD0];
	vm2 =	vgt.f32 v20, v10;
	vm3 =	vgt.f32 v21, v11;
	v16 =	vsel vm0, v9, v6  }
0x25: {  	v18 =	vsel vm0, v15, v1;
	v17 =	vsel vm1, v14, v8;
	v15 =	vld [tilespmem:s19+$0xFFFFFFE0];
	vm0 =	vgt.f32 v22, v12  }
0x26: {  	s18 =	sadd.s32 $0x50, s5;
	v9 =	vld [tilespmem:s19+$0xFFFFFFF0];
	v14 =	vsel vm2, v20, v10;
	v10 =	vsel vm3, v21, v11;
	v21 =	vsel vm1, v23, v2  }
0x27: {  	s20 =	simm.s32 $0xA0;
	s22 =	sadd.s32 $0x50, s18;
	s21 =	sadd.s32 $0x60, s18;
	v8 =	vld [tilespmem:s19+$0x0];
	v20 =	vsel vm2, v24, v3;
	v11 =	vmovc v5;
	v6 =	vsel vm0, v22, v12;
	v12 =	vsel vm3, v25, v4  }
.LBB2_2:
0x28: {  	p1 =	sne.s32 s20, $0x2670;
	v22 =	vor.u32 s22, v0;
	s22 =	sadd.s32 $0x70, s18;
	s23 =	sadd.s32 $0x80, s18;
	v11 =	vsel vm0, v7, v11;
	v23 =	vmov v19  }
0x29: {  	v24 =	vor.u32 s21, v0;
	s18 =	sadd.s32 $0x90, s18;
	s19 =	sadd.s32 $0x50, s19;
	v25 =	vor.u32 s22, v0;
	v26 =	vor.u32 s23, v0  }
.Ltmp0:
0x2a: {  	vm0 =	vgt.f32 v23, v16;
	vm1 =	vgt.f32 v13, v17;
	v7 =	vor.u32 s18, v0;
	v19 =	vld [tilespmem:s19+$0xFFFFFFC0];
	v27 =	vmovc v15;
	(pc) =	sbr.rel @p1 .LBB2_2-.Ltmp0, $4  }
0x2b: {  	v16 =	vsel vm0, v23, v16;
	v18 =	vsel vm0, v22, v18;
	v17 =	vsel vm1, v13, v17;
	v13 =	vld [tilespmem:s19+$0xFFFFFFD0]  }
0x2c: {  	vm2 =	vgt.f32 v27, v14;
	vm3 =	vgt.f32 v9, v10;
	v15 =	vld [tilespmem:s19+$0xFFFFFFE0];
	vm0 =	vgt.f32 v8, v6  }
0x2d: {  	s18 =	sadd.s32 s20, s5;
	v14 =	vsel vm2, v27, v14;
	v10 =	vsel vm3, v9, v10;
	v9 =	vld [tilespmem:s19+$0xFFFFFFF0];
	v6 =	vsel vm0, v8, v6  }
0x2e: {  	s20 =	sadd.s32 $0x50, s20;
	s22 =	sadd.s32 $0x50, s18;
	s21 =	sadd.s32 $0x60, s18;
	v21 =	vsel vm1, v24, v21;
	v20 =	vsel vm2, v25, v20;
	v12 =	vsel vm3, v26, v12;
	v8 =	vld [tilespmem:s19+$0x0]  }
0x2f: {  	v22 =	vor.u32 s22, v0;
	vm1 =	vgt.f32 v19, v16  }
0x30: {  	v23 =	vor.u32 s21, v0;
	vm2 =	vgt.f32 v13, v17;
	v16 =	vsel vm1, v19, v16  }
0x31: {  	v18 =	vsel vm1, v22, v18;
	v13 =	vsel vm2, v13, v17;
	v53 =	vsel vm2, v23, v21  }
0x32: {  	vm15 =	veq.f32 v13, v16;
	vm2 =	vlt.s32 v53, v18  }
0x33: {  	s19 =	sadd.s32 $0x70, s18;
	vm3 =	vgt.f32 v15, v14;
	vm5 =	vgt.f32 v13, v16;
	vm1 =	vmand vm15, vm2  }
0x34: {  	v54 =	vor.u32 s19, v0;
	v14 =	vsel vm3, v15, v14;
	vm1 =	vmor vm5, vm1  }
0x35: {  	v55 =	vsel vm3, v54, v20;
	v13 =	vsel vm1, v13, v16;
	v56 =	vsel vm1, v53, v18  }
0x36: {  	vm6 =	veq.f32 v14, v13;
	vm7 =	vlt.s32 v55, v56  }
0x37: {  	s30 =	sadd.s32 $0x80, s18;
	vm8 =	vgt.f32 v9, v10;
	vm9 =	vgt.f32 v14, v13;
	vm1 =	vmand vm6, vm7  }
0x38: {  	v57 =	vor.u32 s30, v0;
	v9 =	vsel vm8, v9, v10;
	vm1 =	vmor vm9, vm1  }
0x39: {  	v58 =	vsel vm8, v57, v12;
	v59 =	vsel vm1, v14, v13;
	v60 =	vsel vm1, v55, v56  }
0x3a: {  	v7 =	vsel vm0, v7, v11;
	vm10 =	veq.f32 v9, v59;
	vm1 =	vlt.s32 v58, v60  }
0x3b: {  	s31 =	sadd.s32 $0x90, s18;
	vm11 =	vgt.f32 v8, v6;
	vm12 =	vgt.f32 v9, v59;
	vm0 =	vmand vm10, vm1  }
0x3c: {  	v61 =	vor.u32 s31, v0;
	v6 =	vsel vm11, v8, v6;
	vm0 =	vmor vm12, vm0  }
0x3d: {  	v7 =	vsel vm11, v61, v7;
	v62 =	vsel vm0, v9, v59;
	v63 =	vsel vm0, v58, v60  }
0x3e: {  	vm13 =	veq.f32 v6, v62;
	vm14 =	vlt.s32 v7, v63  }
0x3f: {  	vm15 =	vgt.f32 v6, v62;
	vm0 =	vmand vm13, vm14  }
0x40: {  	vm0 =	vmor vm15, vm0  }
0x41: {  	v6 =	vsel vm0, v6, v62  }
0x42: {  	v7 =	vsel vm0, v7, v63;
	[tilespmem:$0x2780] =	vst v6  }
0x43: {  	[tilespmem:$0x2800] =	vst v7  }
0x44: {  	[spmem:s8] =	stream.linear.scatter [tilespmem:s15], [sflag:$0x1], $0x10, $0x38;
	[tilespmem:$0x2BA0] =	vst v63  }
0x45: {  	_ =	swait.ge [sflag:s14], $0x10  }
0x46: {  	[sflag:s14] =	ssyncset.done $0x0  }
0x47: {  	[sflag:s14] =	ssyncadd.s32 $0xFFFFFFF0  }
0x48: {  	[spmem:s9] =	stream.linear.scatter [tilespmem:s16], [sflag:$0x1], $0x10, $0x38;
	[tilespmem:$0x2BA0] =	vst v63  }
0x49: {  	_ =	swait.ge [sflag:s14], $0x10  }
0x4a: {  	[sflag:s14] =	ssyncset.done $0x0  }
0x4b: {  	[sflag:s14] =	ssyncadd.s32 $0xFFFFFFF0  }
0x4c: {  	s18 =	simm.s32 @!p0 $0x28A0;
	[bflag:$0x0] =	sbarrier.arrive $0xFFFF  }
0x4d: {  	[tilespmem:s18], [sflag:$0x1] =	stream.linear.gather @!p0 [spmem:s2], $0x100, $0x38;
	[tilespmem:$0x2BA0] =	vst v63  }
0x4e: {  	s18 =	simm.s32 @!p0 $0x1  }
0x4f: {  	_ =	swait.ge @!p0 [sflag:s18], $0x100  }
0x50: {  	[sflag:s18] =	ssyncset.done @!p0 $0x0  }
0x51: {  	s19 =	simm.s32 @!p0 $0x29A0;
	[sflag:s18] =	ssyncadd.s32 @!p0 $0xFFFFFF00  }
0x52: {  	[tilespmem:s19], [sflag:$0x1] =	stream.linear.gather @!p0 [spmem:s3], $0x100, $0x38;
	[tilespmem:$0x2BA0] =	vst v63  }
0x53: {  	_ =	swait.ge @!p0 [sflag:s18], $0x100  }
0x54: {  	[sflag:s18] =	ssyncset.done @!p0 $0x0  }
0x55: {  	[sflag:s18] =	ssyncadd.s32 @!p0 $0xFFFFFF00  }
0x56: {  	v6 =	vld @!p0 [tilespmem:s7+$0x28A0]  }
0x57: {  	v7 =	vld @!p0 [tilespmem:s7+$0x29A0]  }
0x58: {  	v8 =	vld @!p0 [tilespmem:s11+$0x28A0]  }
0x59: {  	v9 =	vld @!p0 [tilespmem:s11+$0x29A0];
	_ =	sdelay $0x4  }
0x5a: {  	vm0 =	veq.f32 @!p0 v8, v6;
	vm1 =	vlt.s32 @!p0 v9, v7  }
0x5b: {  	vm2 =	vgt.f32 @!p0 v8, v6;
	vm0 =	vmand @!p0 vm0, vm1  }
0x5c: {  	vm0 =	vmor @!p0 vm2, vm0  }
0x5d: {  	v6 =	vsel @!p0 vm0, v8, v6  }
0x5e: {  	(xrf0) =	vmax.scan.msk.f32 @!p0 $0xffff, v6;
	_ =	sdelay $0x5  }
0x5f: {  	v8, _, _ =	vpop @!p0 (xrf0)  }
0x60: {  	v8 =	vbroadcast @!p0 v8, $0xF  }
0x61: {  	v7 =	vsel @!p0 vm0, v9, v7  }
0x62: {  	vm0 =	veq.f32 @!p0 v6, v8;
	v6 =	vxor.u32 @!p0 $0x80000000, v7  }
0x63: {  	v6 =	vnsel @!p0 vm0, $0xFFFFFFFF, v6  }
0x64: {  	(xrf0) =	vmin.scan.msk.u32 @!p0 $0xffff, v6;
	_ =	sdelay $0x5  }
0x65: {  	v6, _, _ =	vpop @!p0 (xrf0)  }
0x66: {  	(v2sf) =	vpush @!p0 v6, $0xF;
	_ =	sdelay $0xe  }
0x67: {  	v6 =	vadd.f32 @!p0 $0.0e+00, v8;
	s19 =	spop @!p0 (v2sf)  }
0x68: {  	s19 =	sxor.u32 @!p0 $0x80000000, s19  }
0x69: {  	[tilespmem:$0x2AA0] =	vst @!p0 v6;
	v6 =	vmov @!p0 s19  }
0x6a: {  	s20 =	simm.s32 @!p0 $0x2AA0;
	s19 =	simm.s32 @!p0 $0x0;
	[tilespmem:$0x2B20] =	vst @!p0 v6  }
0x6b: {  	[hbm4b:s10+s19] =	stream.linear.scatter @!p0 [tilespmem:s20], [sflag:$0x1], $0x10, $0x38;
	[tilespmem:$0x2BA0] =	vst v63  }
0x6c: {  	s17 =	sadd.s32 $0x1, s17;
	_ =	swait.ge @!p0 [sflag:s18], $0x10  }
0x6d: {  	p1 =	sne.s32 s17, s13;
	[sflag:s18] =	ssyncset.done @!p0 $0x0  }
.Ltmp1:
0x6e: {  	s20 =	simm.s32 @!p0 $0x2B20;
	[sflag:s18] =	ssyncadd.s32 @!p0 $0xFFFFFFF0;
	(pc) =	sbr.rel @p1 .LBB2_1-.Ltmp1, $4  }
0x6f: {  	[hbm4b:s12+s19] =	stream.linear.scatter @!p0 [tilespmem:s20], [sflag:$0x1], $0x10, $0x38;
	[tilespmem:$0x2BA0] =	vst v63  }
0x70: {  	_ =	swait.ge @!p0 [sflag:s18], $0x10  }
0x71: {  	[sflag:s18] =	ssyncset.done @!p0 $0x0  }
0x72: {  	[sflag:s18] =	ssyncadd.s32 @!p0 $0xFFFFFFF0  }
0x73: {  	_ =	sfence.sel $0x180000  }
0x74: {  	[bflag:$0x0] =	sbarrier.arrive $0xFFFF  }
0x75: {  	p0 =	sne.s32 s1, $0x0;
	_ =	strace $0x90000047  }
0x76: {  	s0 =	sadd.s32 @!p0 $0x100000, s0;
	[bflag:$0x2] =	sbarrier.arrive $0xFFFF  }
0x77: {  	[sflag:s0] =	ssyncadd.tile.s32 @!p0 $0x1;
	_ =	shalt  }
.Lfunc_end2:
_tile_overlayer_lowered:
.L_overlay_start_2:
0x78: {  	(tag) =	ssettag $0x2  }
0x79: {  	s0 =	rddreg [dreg:$0x0];
	s2 =	stileid.u32  }
0x7a: {  	s1 =	rddreg [dreg:$0x1];
	p0 =	sne.s32 s2, $0x0  }
0x7b: {  	s3 =	rddreg [dreg:$0x2];
	[bflag:$0x3] =	sbarrier.arrive $0xFFFF;
	s2 =	simm.s32 @!p0 $0x1C01  }
0x7c: {  	[timem:s3], [sflag:s2] =	dma.local @!p0 [hbm:s0], s1  }
0x7d: {  	s0 =	simm.s32 @!p0 $0x1  }
0x7e: {  	_ =	swait.ge @!p0 [sflag:s0], s1  }
0x7f: {  	s1 =	ssub.s32 @!p0 $0x0, s1;
	[sflag:s0] =	ssyncset.done @!p0 $0x0  }
0x80: {  	[sflag:s0] =	ssyncadd.s32 @!p0 s1  }
0x81: {  	[bflag:$0x3] =	sbarrier.arrive $0xFFFF  }
0x82: {  	_ =	shalt  }

</sc_bundles>
